<compile_context>
chip_gen: v7x
topology: tpu7x:2x2x1
jax: 0.10.2.dev20260603
libtpu: 0.0.44.dev20260713+nightly
codegen_flags: <defaults>
</compile_context>

<pallas_src>
import functools

import jax
import jax.numpy as jnp
from jax import lax
from jax.experimental import pallas as pl
from jax.experimental.pallas import tpu as pltpu
from jax.experimental.pallas import tpu_sc as plsc

_NC = 2
_NS = 16
_NW = _NC * _NS
_CH = 16
_U = 8
_K = 4
_P = 2


def _sc_add(x2, pos2, B, S, D):
    rows_per_w = S // _NW
    chunks = rows_per_w // _CH
    NJ = chunks * B
    VECS = (_CH * D) // 16
    minor_vecs = D // 16

    mesh = plsc.VectorSubcoreMesh(core_axis_name="c", subcore_axis_name="s")

    @functools.partial(
        pl.kernel,
        mesh=mesh,
        out_type=jax.ShapeDtypeStruct((B * S, D), jnp.float32),
        compiler_params=pltpu.CompilerParams(
            disable_bounds_checks=True,
            disable_semaphore_checks=True,
        ),
        scratch_types=[
            pltpu.VMEM((2, _CH, D), jnp.float32),
            pltpu.VMEM((_K, _CH, D), jnp.float32),
            pltpu.VMEM_SHARED((_NS, 2, _CH, D), jnp.float32),
            pltpu.SemaphoreType.DMA((2,)),
            pltpu.SemaphoreType.DMA((2,)),
            pltpu.SemaphoreType.DMA((_K,)),
            pltpu.SemaphoreType.DMA((_K,)),
        ],
    )
    def k(x_hbm, pos_hbm, out_hbm, pos_buf, x_buf, pos_sp, s1_sem, pos_sem,
          in_sem, out_sem):
        sid = lax.axis_index("s")
        wid = lax.axis_index("s") * _NC + lax.axis_index("c")
        base_row = wid * rows_per_w

        def pos_slice(c):
            return pos_hbm.at[pl.ds(pl.multiple_of(base_row + c * _CH, _CH), _CH), :]

        def x_slice(hbm, c, b):
            row = pl.multiple_of(b * S + base_row + c * _CH, _CH)
            return hbm.at[pl.ds(row, _CH), :]

        def issue_s1(c, ps):
            pltpu.async_copy(pos_slice(c), pos_sp.at[sid, ps], s1_sem.at[ps])

        def wait_s1(c, ps):
            pltpu.make_async_copy(pos_slice(c), pos_sp.at[sid, ps],
                                  s1_sem.at[ps]).wait()

        def issue_pos(c, ps):
            pltpu.async_copy(pos_sp.at[sid, ps], pos_buf.at[ps],
                             pos_sem.at[ps])

        def wait_pos(c, ps):
            pltpu.make_async_copy(pos_sp.at[sid, ps], pos_buf.at[ps],
                                  pos_sem.at[ps]).wait()

        def issue_in(c, b, slot):
            pltpu.async_copy(x_slice(x_hbm, c, b), x_buf.at[slot],
                             in_sem.at[slot])

        def wait_in(c, b, slot):
            pltpu.make_async_copy(x_slice(x_hbm, c, b), x_buf.at[slot],
                                  in_sem.at[slot]).wait()

        def issue_out(c, b, slot):
            pltpu.async_copy(x_buf.at[slot], x_slice(out_hbm, c, b),
                             out_sem.at[slot])

        def wait_out(c, b, slot):
            pltpu.make_async_copy(x_buf.at[slot], x_slice(out_hbm, c, b),
                                  out_sem.at[slot]).wait()

        issue_s1(0, 0)
        if chunks > 1:
            issue_s1(1, 1)
        wait_s1(0, 0)
        issue_pos(0, 0)
        for j in range(_P):
            issue_in(j // B, j % B, j % _K)

        def job_body(j, carry):
            c = lax.div(j, B)
            b = lax.rem(j, B)
            slot = lax.rem(j, _K)
            ps = lax.rem(c, 2)

            @pl.when(b == 0)
            def _pos():
                wait_pos(c, ps)

                @pl.when(c + 2 < chunks)
                def _():
                    issue_s1(c + 2, ps)

                @pl.when(c + 1 < chunks)
                def _():
                    nps = lax.rem(c + 1, 2)
                    wait_s1(c + 1, nps)
                    issue_pos(c + 1, nps)

            nj = j + _P

            @pl.when(nj < NJ)
            def _prefetch():
                nslot = lax.rem(nj, _K)
                pj = nj - _K

                @pl.when(pj >= 0)
                def _recycle():
                    wait_out(lax.div(pj, B), lax.rem(pj, B), lax.rem(pj, _K))

                issue_in(lax.div(nj, B), lax.rem(nj, B), nslot)

            wait_in(c, b, slot)

            @plsc.parallel_loop(0, VECS, step=1, unroll=_U)
            def add_u(i):
                r = i // minor_vecs
                sl = pl.ds((i % minor_vecs) * 16, 16)
                x_buf[slot, r, sl] = x_buf[slot, r, sl] + pos_buf[ps, r, sl]

            issue_out(c, b, slot)
            return carry

        lax.fori_loop(0, NJ, job_body, 0)

        for j in range(max(NJ - _K, 0), NJ):
            wait_out(j // B, j % B, j % _K)

    return k(x2, pos2)


def kernel(x, pos_table):
    B, S, D = x.shape
    out2 = _sc_add(x.reshape(B * S, D), pos_table[:S], B, S, D)
    return out2.reshape(B, S, D)

# --- scband reference (transcript-rebuilt; emitter-appended) ---
"""Pipeline reference for scband-learned-positional-encoding-10677288698186 (READ-ONLY COPY).

The authoritative reference and input builder live on the scoring server;
editing this copy changes nothing except your own understanding.
"""

import jax, jax.numpy as jnp
import numpy as np

D_MODEL = 1024
MAX_SEQ_LEN = 4096

def setup_inputs(seed: int = 0) -> dict:
    key = jax.random.key(seed)
    k1, k2 = jax.random.split(key)
    x = jax.random.normal(k1, (4, 4096, D_MODEL), dtype=jnp.float32)
    # nn.Embedding default init: N(0, 1)
    pos_table = jax.random.normal(k2, (MAX_SEQ_LEN, D_MODEL), dtype=jnp.float32)
    return {"x": x, "pos_table": pos_table}

def reference(x, pos_table):
    seq_len = x.shape[1]
    positions = jnp.arange(MAX_SEQ_LEN)[:seq_len]
    pos_embeddings = jnp.take(pos_table, positions, axis=0)  # gather -> SparseCore-friendly
    out = x + pos_embeddings[None, :, :]
    # dropout p=0.0 -> identity
    return out

if __name__ == "__main__":
    import jax
    _d = setup_inputs()
    print(jax.jit(kernel)(*tuple(_d.values())))

</pallas_src>

<mosaic_0001>
#map = affine_map<(d0, d1) -> (0, 0)>
module attributes {stable_mosaic.version = 14 : i64} {
  func.func @k(%arg0: i32, %arg1: i32, %arg2: memref<16384x1024xf32, #tpu.memory_space<hbm>>, %arg3: memref<4096x1024xf32, #tpu.memory_space<hbm>>, %arg4: memref<16384x1024xf32, #tpu.memory_space<hbm>>, %arg5: memref<2x16x1024xf32, #tpu.memory_space<vmem>>, %arg6: memref<4x16x1024xf32, #tpu.memory_space<vmem>>, %arg7: memref<16x2x16x1024xf32, #tpu.memory_space<vmem_shared>>, %arg8: memref<2x!tpu.dma_semaphore, #tpu.memory_space<semaphore_mem>>, %arg9: memref<2x!tpu.dma_semaphore, #tpu.memory_space<semaphore_mem>>, %arg10: memref<4x!tpu.dma_semaphore, #tpu.memory_space<semaphore_mem>>, %arg11: memref<4x!tpu.dma_semaphore, #tpu.memory_space<semaphore_mem>>) attributes {dimension_semantics = [#tpu.dimension_semantics<core_parallel>, #tpu.dimension_semantics<subcore_parallel>], iteration_bounds = array<i64: 2, 16>, scalar_prefetch = 0 : i64, scratch_operands = 7 : i64, tpu.core_type = #tpu.core_type<sc_vector_subcore>, window_params = [{transform_indices = #map}, {transform_indices = #map}, {transform_indices = #map}]} {
    %mul3A = arith.constant 2 : i32
    %mul3A_0 = arith.muli %arg1, %mul3A : i32
    %add3A = arith.addi %mul3A_0, %arg0 : i32
    %mul3A_1 = arith.constant 128 : i32
    %mul3A_2 = arith.muli %add3A, %mul3A_1 : i32
    %add3A_3 = arith.constant 0 : i32
    %add3A_4 = arith.addi %mul3A_2, %add3A_3 : i32
    %multiple_of3A = tpu.assume_multiple %add3A_4, 16 : i32
    %dma_start3A = arith.constant 0 : i32
    %dma_start3A_5 = arith.constant 0 : i32
    %dma_start3A_6 = tpu.memref_slice %arg8[%dma_start3A_5] : memref<2x!tpu.dma_semaphore, #tpu.memory_space<semaphore_mem>> -> memref<1x!tpu.dma_semaphore, #tpu.memory_space<semaphore_mem>>
    %dma_start3A_7 = tpu.memref_squeeze %dma_start3A_6 : memref<1x!tpu.dma_semaphore, #tpu.memory_space<semaphore_mem>> -> memref<!tpu.dma_semaphore, #tpu.memory_space<semaphore_mem>>
    %dma_start3A_8 = arith.constant 0 : i32
    %dma_start3A_9 = arith.constant 0 : i32
    %dma_start3A_10 = tpu.memref_slice %arg7[%arg1, %dma_start3A, %dma_start3A_8, %dma_start3A_9] : memref<16x2x16x1024xf32, #tpu.memory_space<vmem_shared>> -> memref<1x1x16x1024xf32, #tpu.memory_space<vmem_shared>>
    %dma_start3A_11 = tpu.memref_squeeze %dma_start3A_10 : memref<1x1x16x1024xf32, #tpu.memory_space<vmem_shared>> -> memref<16x1024xf32, #tpu.memory_space<vmem_shared>>
    %dma_start3A_12 = arith.constant 0 : i32
    %dma_start3A_13 = tpu.memref_slice %arg3[%multiple_of3A, %dma_start3A_12] : memref<4096x1024xf32, #tpu.memory_space<hbm>> -> memref<16x1024xf32, #tpu.memory_space<hbm>>
    tpu.enqueue_dma source(%dma_start3A_13 : memref<16x1024xf32, #tpu.memory_space<hbm>>) target(%dma_start3A_11 : memref<16x1024xf32, #tpu.memory_space<vmem_shared>>) target_semaphore(%dma_start3A_7 : memref<!tpu.dma_semaphore, #tpu.memory_space<semaphore_mem>>)
    %add3A_14 = arith.constant 16 : i32
    %add3A_15 = arith.addi %mul3A_2, %add3A_14 : i32
    %multiple_of3A_16 = tpu.assume_multiple %add3A_15, 16 : i32
    %dma_start3A_17 = arith.constant 1 : i32
    %dma_start3A_18 = arith.constant 1 : i32
    %dma_start3A_19 = tpu.memref_slice %arg8[%dma_start3A_18] : memref<2x!tpu.dma_semaphore, #tpu.memory_space<semaphore_mem>> -> memref<1x!tpu.dma_semaphore, #tpu.memory_space<semaphore_mem>>
    %dma_start3A_20 = tpu.memref_squeeze %dma_start3A_19 : memref<1x!tpu.dma_semaphore, #tpu.memory_space<semaphore_mem>> -> memref<!tpu.dma_semaphore, #tpu.memory_space<semaphore_mem>>
    %dma_start3A_21 = arith.constant 0 : i32
    %dma_start3A_22 = arith.constant 0 : i32
    %dma_start3A_23 = tpu.memref_slice %arg7[%arg1, %dma_start3A_17, %dma_start3A_21, %dma_start3A_22] : memref<16x2x16x1024xf32, #tpu.memory_space<vmem_shared>> -> memref<1x1x16x1024xf32, #tpu.memory_space<vmem_shared>>
    %dma_start3A_24 = tpu.memref_squeeze %dma_start3A_23 : memref<1x1x16x1024xf32, #tpu.memory_space<vmem_shared>> -> memref<16x1024xf32, #tpu.memory_space<vmem_shared>>
    %dma_start3A_25 = arith.constant 0 : i32
    %dma_start3A_26 = tpu.memref_slice %arg3[%multiple_of3A_16, %dma_start3A_25] : memref<4096x1024xf32, #tpu.memory_space<hbm>> -> memref<16x1024xf32, #tpu.memory_space<hbm>>
    tpu.enqueue_dma source(%dma_start3A_26 : memref<16x1024xf32, #tpu.memory_space<hbm>>) target(%dma_start3A_24 : memref<16x1024xf32, #tpu.memory_space<vmem_shared>>) target_semaphore(%dma_start3A_20 : memref<!tpu.dma_semaphore, #tpu.memory_space<semaphore_mem>>)
    %add3A_27 = arith.constant 0 : i32
    %add3A_28 = arith.addi %mul3A_2, %add3A_27 : i32
    %multiple_of3A_29 = tpu.assume_multiple %add3A_28, 16 : i32
    %dma_wait3A = arith.constant 0 : i32
    %dma_wait3A_30 = arith.constant 0 : i32
    %dma_wait3A_31 = tpu.memref_slice %arg8[%dma_wait3A_30] : memref<2x!tpu.dma_semaphore, #tpu.memory_space<semaphore_mem>> -> memref<1x!tpu.dma_semaphore, #tpu.memory_space<semaphore_mem>>
    %dma_wait3A_32 = tpu.memref_squeeze %dma_wait3A_31 : memref<1x!tpu.dma_semaphore, #tpu.memory_space<semaphore_mem>> -> memref<!tpu.dma_semaphore, #tpu.memory_space<semaphore_mem>>
    %dma_wait3A_33 = arith.constant 0 : i32
    %dma_wait3A_34 = arith.constant 0 : i32
    %dma_wait3A_35 = tpu.memref_slice %arg7[%arg1, %dma_wait3A, %dma_wait3A_33, %dma_wait3A_34] : memref<16x2x16x1024xf32, #tpu.memory_space<vmem_shared>> -> memref<1x1x16x1024xf32, #tpu.memory_space<vmem_shared>>
    %dma_wait3A_36 = tpu.memref_squeeze %dma_wait3A_35 : memref<1x1x16x1024xf32, #tpu.memory_space<vmem_shared>> -> memref<16x1024xf32, #tpu.memory_space<vmem_shared>>
    %dma_wait3A_37 = arith.constant 0 : i32
    %dma_wait3A_38 = tpu.memref_slice %arg3[%multiple_of3A_29, %dma_wait3A_37] : memref<4096x1024xf32, #tpu.memory_space<hbm>> -> memref<16x1024xf32, #tpu.memory_space<hbm>>
    tpu.wait_dma2 semaphore(%dma_wait3A_32 : memref<!tpu.dma_semaphore, #tpu.memory_space<semaphore_mem>>) src(%dma_wait3A_38 : memref<16x1024xf32, #tpu.memory_space<hbm>>) dst(%dma_wait3A_36 : memref<16x1024xf32, #tpu.memory_space<vmem_shared>>)
    %dma_start3A_39 = arith.constant 0 : i32
    %dma_start3A_40 = arith.constant 0 : i32
    %dma_start3A_41 = arith.constant 0 : i32
    %dma_start3A_42 = arith.constant 0 : i32
    %dma_start3A_43 = arith.constant 0 : i32
    %dma_start3A_44 = tpu.memref_slice %arg5[%dma_start3A_40, %dma_start3A_42, %dma_start3A_43] : memref<2x16x1024xf32, #tpu.memory_space<vmem>> -> memref<1x16x1024xf32, #tpu.memory_space<vmem>>
    %dma_start3A_45 = tpu.memref_squeeze %dma_start3A_44 : memref<1x16x1024xf32, #tpu.memory_space<vmem>> -> memref<16x1024xf32, #tpu.memory_space<vmem>>
    %dma_start3A_46 = arith.constant 0 : i32
    %dma_start3A_47 = arith.constant 0 : i32
    %dma_start3A_48 = tpu.memref_slice %arg7[%arg1, %dma_start3A_39, %dma_start3A_46, %dma_start3A_47] : memref<16x2x16x1024xf32, #tpu.memory_space<vmem_shared>> -> memref<1x1x16x1024xf32, #tpu.memory_space<vmem_shared>>
    %dma_start3A_49 = tpu.memref_squeeze %dma_start3A_48 : memref<1x1x16x1024xf32, #tpu.memory_space<vmem_shared>> -> memref<16x1024xf32, #tpu.memory_space<vmem_shared>>
    %dma_start3A_50 = tpu.memref_slice %arg9[%dma_start3A_41] : memref<2x!tpu.dma_semaphore, #tpu.memory_space<semaphore_mem>> -> memref<1x!tpu.dma_semaphore, #tpu.memory_space<semaphore_mem>>
    %dma_start3A_51 = tpu.memref_squeeze %dma_start3A_50 : memref<1x!tpu.dma_semaphore, #tpu.memory_space<semaphore_mem>> -> memref<!tpu.dma_semaphore, #tpu.memory_space<semaphore_mem>>
    %dma_start3A_52 = arith.constant 0 : i32
    %dma_start3A_53 = arith.constant 0 : i32
    %dma_start3A_54 = tpu.memref_slice %arg5[%dma_start3A_40, %dma_start3A_52, %dma_start3A_53] : memref<2x16x1024xf32, #tpu.memory_space<vmem>> -> memref<1x16x1024xf32, #tpu.memory_space<vmem>>
    %dma_start3A_55 = tpu.memref_squeeze %dma_start3A_54 : memref<1x16x1024xf32, #tpu.memory_space<vmem>> -> memref<16x1024xf32, #tpu.memory_space<vmem>>
    %dma_start3A_56 = arith.constant 0 : i32
    %dma_start3A_57 = arith.constant 0 : i32
    %dma_start3A_58 = tpu.memref_slice %arg7[%arg1, %dma_start3A_39, %dma_start3A_56, %dma_start3A_57] : memref<16x2x16x1024xf32, #tpu.memory_space<vmem_shared>> -> memref<1x1x16x1024xf32, #tpu.memory_space<vmem_shared>>
    %dma_start3A_59 = tpu.memref_squeeze %dma_start3A_58 : memref<1x1x16x1024xf32, #tpu.memory_space<vmem_shared>> -> memref<16x1024xf32, #tpu.memory_space<vmem_shared>>
    tpu.enqueue_dma source(%dma_start3A_59 : memref<16x1024xf32, #tpu.memory_space<vmem_shared>>) target(%dma_start3A_55 : memref<16x1024xf32, #tpu.memory_space<vmem>>) target_semaphore(%dma_start3A_51 : memref<!tpu.dma_semaphore, #tpu.memory_space<semaphore_mem>>)
    %add3A_60 = arith.constant 0 : i32
    %add3A_61 = arith.addi %add3A_60, %mul3A_2 : i32
    %add3A_62 = arith.constant 0 : i32
    %add3A_63 = arith.addi %add3A_61, %add3A_62 : i32
    %multiple_of3A_64 = tpu.assume_multiple %add3A_63, 16 : i32
    %dma_start3A_65 = arith.constant 0 : i32
    %dma_start3A_66 = arith.constant 0 : i32
    %dma_start3A_67 = arith.constant 0 : i32
    %dma_start3A_68 = arith.constant 0 : i32
    %dma_start3A_69 = tpu.memref_slice %arg6[%dma_start3A_65, %dma_start3A_67, %dma_start3A_68] : memref<4x16x1024xf32, #tpu.memory_space<vmem>> -> memref<1x16x1024xf32, #tpu.memory_space<vmem>>
    %dma_start3A_70 = tpu.memref_squeeze %dma_start3A_69 : memref<1x16x1024xf32, #tpu.memory_space<vmem>> -> memref<16x1024xf32, #tpu.memory_space<vmem>>
    %dma_start3A_71 = arith.constant 0 : i32
    %dma_start3A_72 = tpu.memref_slice %arg2[%multiple_of3A_64, %dma_start3A_71] : memref<16384x1024xf32, #tpu.memory_space<hbm>> -> memref<16x1024xf32, #tpu.memory_space<hbm>>
    %dma_start3A_73 = tpu.memref_slice %arg10[%dma_start3A_66] : memref<4x!tpu.dma_semaphore, #tpu.memory_space<semaphore_mem>> -> memref<1x!tpu.dma_semaphore, #tpu.memory_space<semaphore_mem>>
    %dma_start3A_74 = tpu.memref_squeeze %dma_start3A_73 : memref<1x!tpu.dma_semaphore, #tpu.memory_space<semaphore_mem>> -> memref<!tpu.dma_semaphore, #tpu.memory_space<semaphore_mem>>
    %dma_start3A_75 = arith.constant 0 : i32
    %dma_start3A_76 = arith.constant 0 : i32
    %dma_start3A_77 = tpu.memref_slice %arg6[%dma_start3A_65, %dma_start3A_75, %dma_start3A_76] : memref<4x16x1024xf32, #tpu.memory_space<vmem>> -> memref<1x16x1024xf32, #tpu.memory_space<vmem>>
    %dma_start3A_78 = tpu.memref_squeeze %dma_start3A_77 : memref<1x16x1024xf32, #tpu.memory_space<vmem>> -> memref<16x1024xf32, #tpu.memory_space<vmem>>
    %dma_start3A_79 = arith.constant 0 : i32
    %dma_start3A_80 = tpu.memref_slice %arg2[%multiple_of3A_64, %dma_start3A_79] : memref<16384x1024xf32, #tpu.memory_space<hbm>> -> memref<16x1024xf32, #tpu.memory_space<hbm>>
    tpu.enqueue_dma source(%dma_start3A_80 : memref<16x1024xf32, #tpu.memory_space<hbm>>) target(%dma_start3A_78 : memref<16x1024xf32, #tpu.memory_space<vmem>>) target_semaphore(%dma_start3A_74 : memref<!tpu.dma_semaphore, #tpu.memory_space<semaphore_mem>>)
    %add3A_81 = arith.constant 4096 : i32
    %add3A_82 = arith.addi %add3A_81, %mul3A_2 : i32
    %add3A_83 = arith.constant 0 : i32
    %add3A_84 = arith.addi %add3A_82, %add3A_83 : i32
    %multiple_of3A_85 = tpu.assume_multiple %add3A_84, 16 : i32
    %dma_start3A_86 = arith.constant 1 : i32
    %dma_start3A_87 = arith.constant 1 : i32
    %dma_start3A_88 = arith.constant 0 : i32
    %dma_start3A_89 = arith.constant 0 : i32
    %dma_start3A_90 = tpu.memref_slice %arg6[%dma_start3A_86, %dma_start3A_88, %dma_start3A_89] : memref<4x16x1024xf32, #tpu.memory_space<vmem>> -> memref<1x16x1024xf32, #tpu.memory_space<vmem>>
    %dma_start3A_91 = tpu.memref_squeeze %dma_start3A_90 : memref<1x16x1024xf32, #tpu.memory_space<vmem>> -> memref<16x1024xf32, #tpu.memory_space<vmem>>
    %dma_start3A_92 = arith.constant 0 : i32
    %dma_start3A_93 = tpu.memref_slice %arg2[%multiple_of3A_85, %dma_start3A_92] : memref<16384x1024xf32, #tpu.memory_space<hbm>> -> memref<16x1024xf32, #tpu.memory_space<hbm>>
    %dma_start3A_94 = tpu.memref_slice %arg10[%dma_start3A_87] : memref<4x!tpu.dma_semaphore, #tpu.memory_space<semaphore_mem>> -> memref<1x!tpu.dma_semaphore, #tpu.memory_space<semaphore_mem>>
    %dma_start3A_95 = tpu.memref_squeeze %dma_start3A_94 : memref<1x!tpu.dma_semaphore, #tpu.memory_space<semaphore_mem>> -> memref<!tpu.dma_semaphore, #tpu.memory_space<semaphore_mem>>
    %dma_start3A_96 = arith.constant 0 : i32
    %dma_start3A_97 = arith.constant 0 : i32
    %dma_start3A_98 = tpu.memref_slice %arg6[%dma_start3A_86, %dma_start3A_96, %dma_start3A_97] : memref<4x16x1024xf32, #tpu.memory_space<vmem>> -> memref<1x16x1024xf32, #tpu.memory_space<vmem>>
    %dma_start3A_99 = tpu.memref_squeeze %dma_start3A_98 : memref<1x16x1024xf32, #tpu.memory_space<vmem>> -> memref<16x1024xf32, #tpu.memory_space<vmem>>
    %dma_start3A_100 = arith.constant 0 : i32
    %dma_start3A_101 = tpu.memref_slice %arg2[%multiple_of3A_85, %dma_start3A_100] : memref<16384x1024xf32, #tpu.memory_space<hbm>> -> memref<16x1024xf32, #tpu.memory_space<hbm>>
    tpu.enqueue_dma source(%dma_start3A_101 : memref<16x1024xf32, #tpu.memory_space<hbm>>) target(%dma_start3A_99 : memref<16x1024xf32, #tpu.memory_space<vmem>>) target_semaphore(%dma_start3A_95 : memref<!tpu.dma_semaphore, #tpu.memory_space<semaphore_mem>>)
    %scan3A = arith.constant 0 : i32
    %scan3A_102 = arith.constant 0 : i32
    %scan3A_103 = arith.constant 32 : i32
    %scan3A_104 = arith.addi %scan3A_102, %scan3A_103 : i32
    %scan3A_105 = arith.constant 1 : i32
    scf.for %scan3A_191 = %scan3A_102 to %scan3A_104 step %scan3A_105  : i32 {
      %div3A = arith.constant 4 : i32
      %div3A_192 = arith.divsi %scan3A_191, %div3A : i32
      %rem3A = arith.constant 4 : i32
      %rem3A_193 = arith.remsi %scan3A_191, %rem3A : i32
      %rem3A_194 = arith.constant 4 : i32
      %rem3A_195 = arith.remsi %scan3A_191, %rem3A_194 : i32
      %rem3A_196 = arith.constant 2 : i32
      %rem3A_197 = arith.remsi %div3A_192, %rem3A_196 : i32
      %eq3A = arith.constant 0 : i32
      %eq3A_198 = arith.cmpi eq, %rem3A_193, %eq3A : i32
      %convert_element_type3A = arith.extui %eq3A_198 : i1 to i32
      %cond3A = arith.constant 0 : i32
      %cond3A_199 = arith.cmpi ne, %convert_element_type3A, %cond3A : i32
      scf.if %cond3A_199 {
        %dma_wait3A_250 = arith.constant 0 : i32
        %dma_wait3A_251 = arith.constant 0 : i32
        %dma_wait3A_252 = tpu.memref_slice %arg5[%rem3A_197, %dma_wait3A_250, %dma_wait3A_251] : memref<2x16x1024xf32, #tpu.memory_space<vmem>> -> memref<1x16x1024xf32, #tpu.memory_space<vmem>>
        %dma_wait3A_253 = tpu.memref_squeeze %dma_wait3A_252 : memref<1x16x1024xf32, #tpu.memory_space<vmem>> -> memref<16x1024xf32, #tpu.memory_space<vmem>>
        %dma_wait3A_254 = arith.constant 0 : i32
        %dma_wait3A_255 = arith.constant 0 : i32
        %dma_wait3A_256 = tpu.memref_slice %arg7[%arg1, %rem3A_197, %dma_wait3A_254, %dma_wait3A_255] : memref<16x2x16x1024xf32, #tpu.memory_space<vmem_shared>> -> memref<1x1x16x1024xf32, #tpu.memory_space<vmem_shared>>
        %dma_wait3A_257 = tpu.memref_squeeze %dma_wait3A_256 : memref<1x1x16x1024xf32, #tpu.memory_space<vmem_shared>> -> memref<16x1024xf32, #tpu.memory_space<vmem_shared>>
        %dma_wait3A_258 = tpu.memref_slice %arg9[%rem3A_197] : memref<2x!tpu.dma_semaphore, #tpu.memory_space<semaphore_mem>> -> memref<1x!tpu.dma_semaphore, #tpu.memory_space<semaphore_mem>>
        %dma_wait3A_259 = tpu.memref_squeeze %dma_wait3A_258 : memref<1x!tpu.dma_semaphore, #tpu.memory_space<semaphore_mem>> -> memref<!tpu.dma_semaphore, #tpu.memory_space<semaphore_mem>>
        %dma_wait3A_260 = arith.constant 0 : i32
        %dma_wait3A_261 = arith.constant 0 : i32
        %dma_wait3A_262 = tpu.memref_slice %arg5[%rem3A_197, %dma_wait3A_260, %dma_wait3A_261] : memref<2x16x1024xf32, #tpu.memory_space<vmem>> -> memref<1x16x1024xf32, #tpu.memory_space<vmem>>
        %dma_wait3A_263 = tpu.memref_squeeze %dma_wait3A_262 : memref<1x16x1024xf32, #tpu.memory_space<vmem>> -> memref<16x1024xf32, #tpu.memory_space<vmem>>
        %dma_wait3A_264 = arith.constant 0 : i32
        %dma_wait3A_265 = arith.constant 0 : i32
        %dma_wait3A_266 = tpu.memref_slice %arg7[%arg1, %rem3A_197, %dma_wait3A_264, %dma_wait3A_265] : memref<16x2x16x1024xf32, #tpu.memory_space<vmem_shared>> -> memref<1x1x16x1024xf32, #tpu.memory_space<vmem_shared>>
        %dma_wait3A_267 = tpu.memref_squeeze %dma_wait3A_266 : memref<1x1x16x1024xf32, #tpu.memory_space<vmem_shared>> -> memref<16x1024xf32, #tpu.memory_space<vmem_shared>>
        tpu.wait_dma2 semaphore(%dma_wait3A_259 : memref<!tpu.dma_semaphore, #tpu.memory_space<semaphore_mem>>) src(%dma_wait3A_267 : memref<16x1024xf32, #tpu.memory_space<vmem_shared>>) dst(%dma_wait3A_263 : memref<16x1024xf32, #tpu.memory_space<vmem>>)
        %add3A_268 = arith.constant 2 : i32
        %add3A_269 = arith.addi %div3A_192, %add3A_268 : i32
        %lt3A_270 = arith.constant 8 : i32
        %lt3A_271 = arith.cmpi slt, %add3A_269, %lt3A_270 : i32
        %convert_element_type3A_272 = arith.extui %lt3A_271 : i1 to i32
        %cond3A_273 = arith.constant 0 : i32
        %cond3A_274 = arith.cmpi ne, %convert_element_type3A_272, %cond3A_273 : i32
        scf.if %cond3A_274 {
          %add3A_282 = arith.constant 2 : i32
          %add3A_283 = arith.addi %div3A_192, %add3A_282 : i32
          %mul3A_284 = arith.constant 16 : i32
          %mul3A_285 = arith.muli %add3A_283, %mul3A_284 : i32
          %add3A_286 = arith.addi %mul3A_2, %mul3A_285 : i32
          %multiple_of3A_287 = tpu.assume_multiple %add3A_286, 16 : i32
          %dma_start3A_288 = tpu.memref_slice %arg8[%rem3A_197] : memref<2x!tpu.dma_semaphore, #tpu.memory_space<semaphore_mem>> -> memref<1x!tpu.dma_semaphore, #tpu.memory_space<semaphore_mem>>
          %dma_start3A_289 = tpu.memref_squeeze %dma_start3A_288 : memref<1x!tpu.dma_semaphore, #tpu.memory_space<semaphore_mem>> -> memref<!tpu.dma_semaphore, #tpu.memory_space<semaphore_mem>>
          %dma_start3A_290 = arith.constant 0 : i32
          %dma_start3A_291 = arith.constant 0 : i32
          %dma_start3A_292 = tpu.memref_slice %arg7[%arg1, %rem3A_197, %dma_start3A_290, %dma_start3A_291] : memref<16x2x16x1024xf32, #tpu.memory_space<vmem_shared>> -> memref<1x1x16x1024xf32, #tpu.memory_space<vmem_shared>>
          %dma_start3A_293 = tpu.memref_squeeze %dma_start3A_292 : memref<1x1x16x1024xf32, #tpu.memory_space<vmem_shared>> -> memref<16x1024xf32, #tpu.memory_space<vmem_shared>>
          %dma_start3A_294 = arith.constant 0 : i32
          %dma_start3A_295 = tpu.memref_slice %arg3[%multiple_of3A_287, %dma_start3A_294] : memref<4096x1024xf32, #tpu.memory_space<hbm>> -> memref<16x1024xf32, #tpu.memory_space<hbm>>
          tpu.enqueue_dma source(%dma_start3A_295 : memref<16x1024xf32, #tpu.memory_space<hbm>>) target(%dma_start3A_293 : memref<16x1024xf32, #tpu.memory_space<vmem_shared>>) target_semaphore(%dma_start3A_289 : memref<!tpu.dma_semaphore, #tpu.memory_space<semaphore_mem>>)
        } else {
        }
        %add3A_275 = arith.constant 1 : i32
        %add3A_276 = arith.addi %div3A_192, %add3A_275 : i32
        %lt3A_277 = arith.constant 8 : i32
        %lt3A_278 = arith.cmpi slt, %add3A_276, %lt3A_277 : i32
        %convert_element_type3A_279 = arith.extui %lt3A_278 : i1 to i32
        %cond3A_280 = arith.constant 0 : i32
        %cond3A_281 = arith.cmpi ne, %convert_element_type3A_279, %cond3A_280 : i32
        scf.if %cond3A_281 {
          %add3A_282 = arith.constant 1 : i32
          %add3A_283 = arith.addi %div3A_192, %add3A_282 : i32
          %rem3A_284 = arith.constant 2 : i32
          %rem3A_285 = arith.remsi %add3A_283, %rem3A_284 : i32
          %add3A_286 = arith.constant 1 : i32
          %add3A_287 = arith.addi %div3A_192, %add3A_286 : i32
          %mul3A_288 = arith.constant 16 : i32
          %mul3A_289 = arith.muli %add3A_287, %mul3A_288 : i32
          %add3A_290 = arith.addi %mul3A_2, %mul3A_289 : i32
          %multiple_of3A_291 = tpu.assume_multiple %add3A_290, 16 : i32
          %dma_wait3A_292 = tpu.memref_slice %arg8[%rem3A_285] : memref<2x!tpu.dma_semaphore, #tpu.memory_space<semaphore_mem>> -> memref<1x!tpu.dma_semaphore, #tpu.memory_space<semaphore_mem>>
          %dma_wait3A_293 = tpu.memref_squeeze %dma_wait3A_292 : memref<1x!tpu.dma_semaphore, #tpu.memory_space<semaphore_mem>> -> memref<!tpu.dma_semaphore, #tpu.memory_space<semaphore_mem>>
          %dma_wait3A_294 = arith.constant 0 : i32
          %dma_wait3A_295 = arith.constant 0 : i32
          %dma_wait3A_296 = tpu.memref_slice %arg7[%arg1, %rem3A_285, %dma_wait3A_294, %dma_wait3A_295] : memref<16x2x16x1024xf32, #tpu.memory_space<vmem_shared>> -> memref<1x1x16x1024xf32, #tpu.memory_space<vmem_shared>>
          %dma_wait3A_297 = tpu.memref_squeeze %dma_wait3A_296 : memref<1x1x16x1024xf32, #tpu.memory_space<vmem_shared>> -> memref<16x1024xf32, #tpu.memory_space<vmem_shared>>
          %dma_wait3A_298 = arith.constant 0 : i32
          %dma_wait3A_299 = tpu.memref_slice %arg3[%multiple_of3A_291, %dma_wait3A_298] : memref<4096x1024xf32, #tpu.memory_space<hbm>> -> memref<16x1024xf32, #tpu.memory_space<hbm>>
          tpu.wait_dma2 semaphore(%dma_wait3A_293 : memref<!tpu.dma_semaphore, #tpu.memory_space<semaphore_mem>>) src(%dma_wait3A_299 : memref<16x1024xf32, #tpu.memory_space<hbm>>) dst(%dma_wait3A_297 : memref<16x1024xf32, #tpu.memory_space<vmem_shared>>)
          %add3A_300 = arith.constant 1 : i32
          %add3A_301 = arith.addi %div3A_192, %add3A_300 : i32
          %dma_start3A_302 = arith.constant 0 : i32
          %dma_start3A_303 = arith.constant 0 : i32
          %dma_start3A_304 = tpu.memref_slice %arg5[%rem3A_285, %dma_start3A_302, %dma_start3A_303] : memref<2x16x1024xf32, #tpu.memory_space<vmem>> -> memref<1x16x1024xf32, #tpu.memory_space<vmem>>
          %dma_start3A_305 = tpu.memref_squeeze %dma_start3A_304 : memref<1x16x1024xf32, #tpu.memory_space<vmem>> -> memref<16x1024xf32, #tpu.memory_space<vmem>>
          %dma_start3A_306 = arith.constant 0 : i32
          %dma_start3A_307 = arith.constant 0 : i32
          %dma_start3A_308 = tpu.memref_slice %arg7[%arg1, %rem3A_285, %dma_start3A_306, %dma_start3A_307] : memref<16x2x16x1024xf32, #tpu.memory_space<vmem_shared>> -> memref<1x1x16x1024xf32, #tpu.memory_space<vmem_shared>>
          %dma_start3A_309 = tpu.memref_squeeze %dma_start3A_308 : memref<1x1x16x1024xf32, #tpu.memory_space<vmem_shared>> -> memref<16x1024xf32, #tpu.memory_space<vmem_shared>>
          %dma_start3A_310 = tpu.memref_slice %arg9[%rem3A_285] : memref<2x!tpu.dma_semaphore, #tpu.memory_space<semaphore_mem>> -> memref<1x!tpu.dma_semaphore, #tpu.memory_space<semaphore_mem>>
          %dma_start3A_311 = tpu.memref_squeeze %dma_start3A_310 : memref<1x!tpu.dma_semaphore, #tpu.memory_space<semaphore_mem>> -> memref<!tpu.dma_semaphore, #tpu.memory_space<semaphore_mem>>
          %dma_start3A_312 = arith.constant 0 : i32
          %dma_start3A_313 = arith.constant 0 : i32
          %dma_start3A_314 = tpu.memref_slice %arg5[%rem3A_285, %dma_start3A_312, %dma_start3A_313] : memref<2x16x1024xf32, #tpu.memory_space<vmem>> -> memref<1x16x1024xf32, #tpu.memory_space<vmem>>
          %dma_start3A_315 = tpu.memref_squeeze %dma_start3A_314 : memref<1x16x1024xf32, #tpu.memory_space<vmem>> -> memref<16x1024xf32, #tpu.memory_space<vmem>>
          %dma_start3A_316 = arith.constant 0 : i32
          %dma_start3A_317 = arith.constant 0 : i32
          %dma_start3A_318 = tpu.memref_slice %arg7[%arg1, %rem3A_285, %dma_start3A_316, %dma_start3A_317] : memref<16x2x16x1024xf32, #tpu.memory_space<vmem_shared>> -> memref<1x1x16x1024xf32, #tpu.memory_space<vmem_shared>>
          %dma_start3A_319 = tpu.memref_squeeze %dma_start3A_318 : memref<1x1x16x1024xf32, #tpu.memory_space<vmem_shared>> -> memref<16x1024xf32, #tpu.memory_space<vmem_shared>>
          tpu.enqueue_dma source(%dma_start3A_319 : memref<16x1024xf32, #tpu.memory_space<vmem_shared>>) target(%dma_start3A_315 : memref<16x1024xf32, #tpu.memory_space<vmem>>) target_semaphore(%dma_start3A_311 : memref<!tpu.dma_semaphore, #tpu.memory_space<semaphore_mem>>)
        } else {
        }
      } else {
      }
      %add3A_200 = arith.constant 2 : i32
      %add3A_201 = arith.addi %scan3A_191, %add3A_200 : i32
      %lt3A = arith.constant 32 : i32
      %lt3A_202 = arith.cmpi slt, %add3A_201, %lt3A : i32
      %convert_element_type3A_203 = arith.extui %lt3A_202 : i1 to i32
      %cond3A_204 = arith.constant 0 : i32
      %cond3A_205 = arith.cmpi ne, %convert_element_type3A_203, %cond3A_204 : i32
      scf.if %cond3A_205 {
        %rem3A_250 = arith.constant 4 : i32
        %rem3A_251 = arith.remsi %add3A_201, %rem3A_250 : i32
        %sub3A = arith.constant 4 : i32
        %sub3A_252 = arith.subi %add3A_201, %sub3A : i32
        %ge3A = arith.constant 0 : i32
        %ge3A_253 = arith.cmpi sge, %sub3A_252, %ge3A : i32
        %convert_element_type3A_254 = arith.extui %ge3A_253 : i1 to i32
        %cond3A_255 = arith.constant 0 : i32
        %cond3A_256 = arith.cmpi ne, %convert_element_type3A_254, %cond3A_255 : i32
        scf.if %cond3A_256 {
          %div3A_282 = arith.constant 4 : i32
          %div3A_283 = arith.divsi %sub3A_252, %div3A_282 : i32
          %rem3A_284 = arith.constant 4 : i32
          %rem3A_285 = arith.remsi %sub3A_252, %rem3A_284 : i32
          %rem3A_286 = arith.constant 4 : i32
          %rem3A_287 = arith.remsi %sub3A_252, %rem3A_286 : i32
          %mul3A_288 = arith.constant 4096 : i32
          %mul3A_289 = arith.muli %rem3A_285, %mul3A_288 : i32
          %add3A_290 = arith.addi %mul3A_289, %mul3A_2 : i32
          %mul3A_291 = arith.constant 16 : i32
          %mul3A_292 = arith.muli %div3A_283, %mul3A_291 : i32
          %add3A_293 = arith.addi %add3A_290, %mul3A_292 : i32
          %multiple_of3A_294 = tpu.assume_multiple %add3A_293, 16 : i32
          %dma_wait3A_295 = arith.constant 0 : i32
          %dma_wait3A_296 = arith.constant 0 : i32
          %dma_wait3A_297 = tpu.memref_slice %arg6[%rem3A_287, %dma_wait3A_295, %dma_wait3A_296] : memref<4x16x1024xf32, #tpu.memory_space<vmem>> -> memref<1x16x1024xf32, #tpu.memory_space<vmem>>
          %dma_wait3A_298 = tpu.memref_squeeze %dma_wait3A_297 : memref<1x16x1024xf32, #tpu.memory_space<vmem>> -> memref<16x1024xf32, #tpu.memory_space<vmem>>
          %dma_wait3A_299 = arith.constant 0 : i32
          %dma_wait3A_300 = tpu.memref_slice %arg4[%multiple_of3A_294, %dma_wait3A_299] : memref<16384x1024xf32, #tpu.memory_space<hbm>> -> memref<16x1024xf32, #tpu.memory_space<hbm>>
          %dma_wait3A_301 = tpu.memref_slice %arg11[%rem3A_287] : memref<4x!tpu.dma_semaphore, #tpu.memory_space<semaphore_mem>> -> memref<1x!tpu.dma_semaphore, #tpu.memory_space<semaphore_mem>>
          %dma_wait3A_302 = tpu.memref_squeeze %dma_wait3A_301 : memref<1x!tpu.dma_semaphore, #tpu.memory_space<semaphore_mem>> -> memref<!tpu.dma_semaphore, #tpu.memory_space<semaphore_mem>>
          %dma_wait3A_303 = arith.constant 0 : i32
          %dma_wait3A_304 = tpu.memref_slice %arg4[%multiple_of3A_294, %dma_wait3A_303] : memref<16384x1024xf32, #tpu.memory_space<hbm>> -> memref<16x1024xf32, #tpu.memory_space<hbm>>
          %dma_wait3A_305 = arith.constant 0 : i32
          %dma_wait3A_306 = arith.constant 0 : i32
          %dma_wait3A_307 = tpu.memref_slice %arg6[%rem3A_287, %dma_wait3A_305, %dma_wait3A_306] : memref<4x16x1024xf32, #tpu.memory_space<vmem>> -> memref<1x16x1024xf32, #tpu.memory_space<vmem>>
          %dma_wait3A_308 = tpu.memref_squeeze %dma_wait3A_307 : memref<1x16x1024xf32, #tpu.memory_space<vmem>> -> memref<16x1024xf32, #tpu.memory_space<vmem>>
          tpu.wait_dma2 semaphore(%dma_wait3A_302 : memref<!tpu.dma_semaphore, #tpu.memory_space<semaphore_mem>>) src(%dma_wait3A_308 : memref<16x1024xf32, #tpu.memory_space<vmem>>) dst(%dma_wait3A_304 : memref<16x1024xf32, #tpu.memory_space<hbm>>)
        } else {
        }
        %div3A_257 = arith.constant 4 : i32
        %div3A_258 = arith.divsi %add3A_201, %div3A_257 : i32
        %rem3A_259 = arith.constant 4 : i32
        %rem3A_260 = arith.remsi %add3A_201, %rem3A_259 : i32
        %mul3A_261 = arith.constant 4096 : i32
        %mul3A_262 = arith.muli %rem3A_260, %mul3A_261 : i32
        %add3A_263 = arith.addi %mul3A_262, %mul3A_2 : i32
        %mul3A_264 = arith.constant 16 : i32
        %mul3A_265 = arith.muli %div3A_258, %mul3A_264 : i32
        %add3A_266 = arith.addi %add3A_263, %mul3A_265 : i32
        %multiple_of3A_267 = tpu.assume_multiple %add3A_266, 16 : i32
        %dma_start3A_268 = arith.constant 0 : i32
        %dma_start3A_269 = arith.constant 0 : i32
        %dma_start3A_270 = tpu.memref_slice %arg6[%rem3A_251, %dma_start3A_268, %dma_start3A_269] : memref<4x16x1024xf32, #tpu.memory_space<vmem>> -> memref<1x16x1024xf32, #tpu.memory_space<vmem>>
        %dma_start3A_271 = tpu.memref_squeeze %dma_start3A_270 : memref<1x16x1024xf32, #tpu.memory_space<vmem>> -> memref<16x1024xf32, #tpu.memory_space<vmem>>
        %dma_start3A_272 = arith.constant 0 : i32
        %dma_start3A_273 = tpu.memref_slice %arg2[%multiple_of3A_267, %dma_start3A_272] : memref<16384x1024xf32, #tpu.memory_space<hbm>> -> memref<16x1024xf32, #tpu.memory_space<hbm>>
        %dma_start3A_274 = tpu.memref_slice %arg10[%rem3A_251] : memref<4x!tpu.dma_semaphore, #tpu.memory_space<semaphore_mem>> -> memref<1x!tpu.dma_semaphore, #tpu.memory_space<semaphore_mem>>
        %dma_start3A_275 = tpu.memref_squeeze %dma_start3A_274 : memref<1x!tpu.dma_semaphore, #tpu.memory_space<semaphore_mem>> -> memref<!tpu.dma_semaphore, #tpu.memory_space<semaphore_mem>>
        %dma_start3A_276 = arith.constant 0 : i32
        %dma_start3A_277 = arith.constant 0 : i32
        %dma_start3A_278 = tpu.memref_slice %arg6[%rem3A_251, %dma_start3A_276, %dma_start3A_277] : memref<4x16x1024xf32, #tpu.memory_space<vmem>> -> memref<1x16x1024xf32, #tpu.memory_space<vmem>>
        %dma_start3A_279 = tpu.memref_squeeze %dma_start3A_278 : memref<1x16x1024xf32, #tpu.memory_space<vmem>> -> memref<16x1024xf32, #tpu.memory_space<vmem>>
        %dma_start3A_280 = arith.constant 0 : i32
        %dma_start3A_281 = tpu.memref_slice %arg2[%multiple_of3A_267, %dma_start3A_280] : memref<16384x1024xf32, #tpu.memory_space<hbm>> -> memref<16x1024xf32, #tpu.memory_space<hbm>>
        tpu.enqueue_dma source(%dma_start3A_281 : memref<16x1024xf32, #tpu.memory_space<hbm>>) target(%dma_start3A_279 : memref<16x1024xf32, #tpu.memory_space<vmem>>) target_semaphore(%dma_start3A_275 : memref<!tpu.dma_semaphore, #tpu.memory_space<semaphore_mem>>)
      } else {
      }
      %mul3A_206 = arith.constant 4096 : i32
      %mul3A_207 = arith.muli %rem3A_193, %mul3A_206 : i32
      %add3A_208 = arith.addi %mul3A_207, %mul3A_2 : i32
      %mul3A_209 = arith.constant 16 : i32
      %mul3A_210 = arith.muli %div3A_192, %mul3A_209 : i32
      %add3A_211 = arith.addi %add3A_208, %mul3A_210 : i32
      %multiple_of3A_212 = tpu.assume_multiple %add3A_211, 16 : i32
      %dma_wait3A_213 = arith.constant 0 : i32
      %dma_wait3A_214 = arith.constant 0 : i32
      %dma_wait3A_215 = tpu.memref_slice %arg6[%rem3A_195, %dma_wait3A_213, %dma_wait3A_214] : memref<4x16x1024xf32, #tpu.memory_space<vmem>> -> memref<1x16x1024xf32, #tpu.memory_space<vmem>>
      %dma_wait3A_216 = tpu.memref_squeeze %dma_wait3A_215 : memref<1x16x1024xf32, #tpu.memory_space<vmem>> -> memref<16x1024xf32, #tpu.memory_space<vmem>>
      %dma_wait3A_217 = arith.constant 0 : i32
      %dma_wait3A_218 = tpu.memref_slice %arg2[%multiple_of3A_212, %dma_wait3A_217] : memref<16384x1024xf32, #tpu.memory_space<hbm>> -> memref<16x1024xf32, #tpu.memory_space<hbm>>
      %dma_wait3A_219 = tpu.memref_slice %arg10[%rem3A_195] : memref<4x!tpu.dma_semaphore, #tpu.memory_space<semaphore_mem>> -> memref<1x!tpu.dma_semaphore, #tpu.memory_space<semaphore_mem>>
      %dma_wait3A_220 = tpu.memref_squeeze %dma_wait3A_219 : memref<1x!tpu.dma_semaphore, #tpu.memory_space<semaphore_mem>> -> memref<!tpu.dma_semaphore, #tpu.memory_space<semaphore_mem>>
      %dma_wait3A_221 = arith.constant 0 : i32
      %dma_wait3A_222 = arith.constant 0 : i32
      %dma_wait3A_223 = tpu.memref_slice %arg6[%rem3A_195, %dma_wait3A_221, %dma_wait3A_222] : memref<4x16x1024xf32, #tpu.memory_space<vmem>> -> memref<1x16x1024xf32, #tpu.memory_space<vmem>>
      %dma_wait3A_224 = tpu.memref_squeeze %dma_wait3A_223 : memref<1x16x1024xf32, #tpu.memory_space<vmem>> -> memref<16x1024xf32, #tpu.memory_space<vmem>>
      %dma_wait3A_225 = arith.constant 0 : i32
      %dma_wait3A_226 = tpu.memref_slice %arg2[%multiple_of3A_212, %dma_wait3A_225] : memref<16384x1024xf32, #tpu.memory_space<hbm>> -> memref<16x1024xf32, #tpu.memory_space<hbm>>
      tpu.wait_dma2 semaphore(%dma_wait3A_220 : memref<!tpu.dma_semaphore, #tpu.memory_space<semaphore_mem>>) src(%dma_wait3A_226 : memref<16x1024xf32, #tpu.memory_space<hbm>>) dst(%dma_wait3A_224 : memref<16x1024xf32, #tpu.memory_space<vmem>>)
      %parallel_loop3A = arith.constant 0 : i32
      %parallel_loop3A_227 = arith.constant 1024 : i32
      %parallel_loop3A_228 = arith.constant 1 : i32
      scf.for %parallel_loop3A_250 = %parallel_loop3A to %parallel_loop3A_227 step %parallel_loop3A_228  : i32 {
        %parallel_loop3A_251 = arith.constant 64 : i32
        %parallel_loop3A_252 = arith.divsi %parallel_loop3A_250, %parallel_loop3A_251 : i32
        %parallel_loop3A_253 = arith.constant 0 : i32
        %parallel_loop3A_254 = arith.cmpi sgt, %parallel_loop3A_250, %parallel_loop3A_253 : i32
        %parallel_loop3A_255 = arith.extui %parallel_loop3A_254 : i1 to i32
        %parallel_loop3A_256 = arith.constant 0 : i32
        %parallel_loop3A_257 = arith.cmpi slt, %parallel_loop3A_250, %parallel_loop3A_256 : i32
        %parallel_loop3A_258 = arith.extui %parallel_loop3A_257 : i1 to i32
        %parallel_loop3A_259 = arith.subi %parallel_loop3A_255, %parallel_loop3A_258 : i32
        %parallel_loop3A_260 = arith.constant 0 : i32
        %parallel_loop3A_261 = arith.cmpi sgt, %parallel_loop3A_251, %parallel_loop3A_260 : i32
        %parallel_loop3A_262 = arith.extui %parallel_loop3A_261 : i1 to i32
        %parallel_loop3A_263 = arith.constant 0 : i32
        %parallel_loop3A_264 = arith.cmpi slt, %parallel_loop3A_251, %parallel_loop3A_263 : i32
        %parallel_loop3A_265 = arith.extui %parallel_loop3A_264 : i1 to i32
        %parallel_loop3A_266 = arith.subi %parallel_loop3A_262, %parallel_loop3A_265 : i32
        %parallel_loop3A_267 = arith.cmpi ne, %parallel_loop3A_259, %parallel_loop3A_266 : i32
        %parallel_loop3A_268 = arith.remsi %parallel_loop3A_250, %parallel_loop3A_251 : i32
        %parallel_loop3A_269 = arith.constant 0 : i32
        %parallel_loop3A_270 = arith.cmpi ne, %parallel_loop3A_268, %parallel_loop3A_269 : i32
        %parallel_loop3A_271 = arith.andi %parallel_loop3A_267, %parallel_loop3A_270 : i1
        %parallel_loop3A_272 = arith.constant 1 : i32
        %parallel_loop3A_273 = arith.subi %parallel_loop3A_252, %parallel_loop3A_272 : i32
        %parallel_loop3A_274 = arith.select %parallel_loop3A_271, %parallel_loop3A_273, %parallel_loop3A_252 : i32
        %parallel_loop3A_275 = arith.constant 64 : i32
        %parallel_loop3A_276 = arith.constant 0 : i32
        %parallel_loop3A_277 = arith.cmpi eq, %parallel_loop3A_275, %parallel_loop3A_276 : i32
        %parallel_loop3A_278 = arith.constant 1 : i32
        %parallel_loop3A_279 = arith.select %parallel_loop3A_277, %parallel_loop3A_278, %parallel_loop3A_275 : i32
        %parallel_loop3A_280 = arith.remsi %parallel_loop3A_250, %parallel_loop3A_279 : i32
        %parallel_loop3A_281 = arith.constant 0 : i32
        %parallel_loop3A_282 = arith.cmpi ne, %parallel_loop3A_280, %parallel_loop3A_281 : i32
        %parallel_loop3A_283 = arith.constant 0 : i32
        %parallel_loop3A_284 = arith.cmpi slt, %parallel_loop3A_280, %parallel_loop3A_283 : i32
        %parallel_loop3A_285 = arith.constant 0 : i32
        %parallel_loop3A_286 = arith.cmpi slt, %parallel_loop3A_279, %parallel_loop3A_285 : i32
        %parallel_loop3A_287 = arith.xori %parallel_loop3A_284, %parallel_loop3A_286 : i1
        %parallel_loop3A_288 = arith.andi %parallel_loop3A_287, %parallel_loop3A_282 : i1
        %parallel_loop3A_289 = arith.addi %parallel_loop3A_280, %parallel_loop3A_279 : i32
        %parallel_loop3A_290 = arith.select %parallel_loop3A_288, %parallel_loop3A_289, %parallel_loop3A_280 : i32
        %parallel_loop3A_291 = arith.constant 16 : i32
        %parallel_loop3A_292 = arith.muli %parallel_loop3A_290, %parallel_loop3A_291 : i32
        %parallel_loop3A_293 = arith.index_cast %rem3A_195 : i32 to index
        %parallel_loop3A_294 = arith.index_cast %parallel_loop3A_274 : i32 to index
        %parallel_loop3A_295 = arith.index_cast %parallel_loop3A_292 : i32 to index
        %parallel_loop3A_296 = tpu.vector_load %arg6[%parallel_loop3A_293, %parallel_loop3A_294, %parallel_loop3A_295] {strides = array<i32>} : memref<4x16x1024xf32, #tpu.memory_space<vmem>>, vector<1x1x16xf32>,
        %parallel_loop3A_297 = vector.shape_cast %parallel_loop3A_296 : vector<1x1x16xf32> to vector<16xf32>
        %parallel_loop3A_298 = arith.index_cast %rem3A_197 : i32 to index
        %parallel_loop3A_299 = arith.index_cast %parallel_loop3A_274 : i32 to index
        %parallel_loop3A_300 = arith.index_cast %parallel_loop3A_292 : i32 to index
        %parallel_loop3A_301 = tpu.vector_load %arg5[%parallel_loop3A_298, %parallel_loop3A_299, %parallel_loop3A_300] {strides = array<i32>} : memref<2x16x1024xf32, #tpu.memory_space<vmem>>, vector<1x1x16xf32>,
        %parallel_loop3A_302 = vector.shape_cast %parallel_loop3A_301 : vector<1x1x16xf32> to vector<16xf32>
        %parallel_loop3A_303 = arith.addf %parallel_loop3A_297, %parallel_loop3A_302 : vector<16xf32>
        %parallel_loop3A_304 = arith.index_cast %rem3A_195 : i32 to index
        %parallel_loop3A_305 = arith.index_cast %parallel_loop3A_274 : i32 to index
        %parallel_loop3A_306 = arith.index_cast %parallel_loop3A_292 : i32 to index
        %parallel_loop3A_307 = tpu.vector_load %arg6[%parallel_loop3A_304, %parallel_loop3A_305, %parallel_loop3A_306] {strides = array<i32>} : memref<4x16x1024xf32, #tpu.memory_space<vmem>>, vector<1x1x16xf32>,
        %parallel_loop3A_308 = vector.shape_cast %parallel_loop3A_307 : vector<1x1x16xf32> to vector<16xf32>
        %parallel_loop3A_309 = vector.shape_cast %parallel_loop3A_303 : vector<16xf32> to vector<1x1x16xf32>
        tpu.vector_store %arg6[%parallel_loop3A_304, %parallel_loop3A_305, %parallel_loop3A_306], %parallel_loop3A_309 {strides = array<i32>} : memref<4x16x1024xf32, #tpu.memory_space<vmem>>, vector<1x1x16xf32>,
      } {sc.loop_unroll_factor = 8 : i64, sc.parallel_access}
      %mul3A_229 = arith.constant 4096 : i32
      %mul3A_230 = arith.muli %rem3A_193, %mul3A_229 : i32
      %add3A_231 = arith.addi %mul3A_230, %mul3A_2 : i32
      %mul3A_232 = arith.constant 16 : i32
      %mul3A_233 = arith.muli %div3A_192, %mul3A_232 : i32
      %add3A_234 = arith.addi %add3A_231, %mul3A_233 : i32
      %multiple_of3A_235 = tpu.assume_multiple %add3A_234, 16 : i32
      %dma_start3A_236 = arith.constant 0 : i32
      %dma_start3A_237 = arith.constant 0 : i32
      %dma_start3A_238 = tpu.memref_slice %arg6[%rem3A_195, %dma_start3A_236, %dma_start3A_237] : memref<4x16x1024xf32, #tpu.memory_space<vmem>> -> memref<1x16x1024xf32, #tpu.memory_space<vmem>>
      %dma_start3A_239 = tpu.memref_squeeze %dma_start3A_238 : memref<1x16x1024xf32, #tpu.memory_space<vmem>> -> memref<16x1024xf32, #tpu.memory_space<vmem>>
      %dma_start3A_240 = arith.constant 0 : i32
      %dma_start3A_241 = tpu.memref_slice %arg4[%multiple_of3A_235, %dma_start3A_240] : memref<16384x1024xf32, #tpu.memory_space<hbm>> -> memref<16x1024xf32, #tpu.memory_space<hbm>>
      %dma_start3A_242 = tpu.memref_slice %arg11[%rem3A_195] : memref<4x!tpu.dma_semaphore, #tpu.memory_space<semaphore_mem>> -> memref<1x!tpu.dma_semaphore, #tpu.memory_space<semaphore_mem>>
      %dma_start3A_243 = tpu.memref_squeeze %dma_start3A_242 : memref<1x!tpu.dma_semaphore, #tpu.memory_space<semaphore_mem>> -> memref<!tpu.dma_semaphore, #tpu.memory_space<semaphore_mem>>
      %dma_start3A_244 = arith.constant 0 : i32
      %dma_start3A_245 = tpu.memref_slice %arg4[%multiple_of3A_235, %dma_start3A_244] : memref<16384x1024xf32, #tpu.memory_space<hbm>> -> memref<16x1024xf32, #tpu.memory_space<hbm>>
      %dma_start3A_246 = arith.constant 0 : i32
      %dma_start3A_247 = arith.constant 0 : i32
      %dma_start3A_248 = tpu.memref_slice %arg6[%rem3A_195, %dma_start3A_246, %dma_start3A_247] : memref<4x16x1024xf32, #tpu.memory_space<vmem>> -> memref<1x16x1024xf32, #tpu.memory_space<vmem>>
      %dma_start3A_249 = tpu.memref_squeeze %dma_start3A_248 : memref<1x16x1024xf32, #tpu.memory_space<vmem>> -> memref<16x1024xf32, #tpu.memory_space<vmem>>
      tpu.enqueue_dma source(%dma_start3A_249 : memref<16x1024xf32, #tpu.memory_space<vmem>>) target(%dma_start3A_245 : memref<16x1024xf32, #tpu.memory_space<hbm>>) target_semaphore(%dma_start3A_243 : memref<!tpu.dma_semaphore, #tpu.memory_space<semaphore_mem>>)
    }
    %scan3A_106 = arith.constant 32 : i32
    %add3A_107 = arith.constant 0 : i32
    %add3A_108 = arith.addi %add3A_107, %mul3A_2 : i32
    %add3A_109 = arith.constant 112 : i32
    %add3A_110 = arith.addi %add3A_108, %add3A_109 : i32
    %multiple_of3A_111 = tpu.assume_multiple %add3A_110, 16 : i32
    %dma_wait3A_112 = arith.constant 0 : i32
    %dma_wait3A_113 = arith.constant 0 : i32
    %dma_wait3A_114 = arith.constant 0 : i32
    %dma_wait3A_115 = arith.constant 0 : i32
    %dma_wait3A_116 = tpu.memref_slice %arg6[%dma_wait3A_112, %dma_wait3A_114, %dma_wait3A_115] : memref<4x16x1024xf32, #tpu.memory_space<vmem>> -> memref<1x16x1024xf32, #tpu.memory_space<vmem>>
    %dma_wait3A_117 = tpu.memref_squeeze %dma_wait3A_116 : memref<1x16x1024xf32, #tpu.memory_space<vmem>> -> memref<16x1024xf32, #tpu.memory_space<vmem>>
    %dma_wait3A_118 = arith.constant 0 : i32
    %dma_wait3A_119 = tpu.memref_slice %arg4[%multiple_of3A_111, %dma_wait3A_118] : memref<16384x1024xf32, #tpu.memory_space<hbm>> -> memref<16x1024xf32, #tpu.memory_space<hbm>>
    %dma_wait3A_120 = tpu.memref_slice %arg11[%dma_wait3A_113] : memref<4x!tpu.dma_semaphore, #tpu.memory_space<semaphore_mem>> -> memref<1x!tpu.dma_semaphore, #tpu.memory_space<semaphore_mem>>
    %dma_wait3A_121 = tpu.memref_squeeze %dma_wait3A_120 : memref<1x!tpu.dma_semaphore, #tpu.memory_space<semaphore_mem>> -> memref<!tpu.dma_semaphore, #tpu.memory_space<semaphore_mem>>
    %dma_wait3A_122 = arith.constant 0 : i32
    %dma_wait3A_123 = tpu.memref_slice %arg4[%multiple_of3A_111, %dma_wait3A_122] : memref<16384x1024xf32, #tpu.memory_space<hbm>> -> memref<16x1024xf32, #tpu.memory_space<hbm>>
    %dma_wait3A_124 = arith.constant 0 : i32
    %dma_wait3A_125 = arith.constant 0 : i32
    %dma_wait3A_126 = tpu.memref_slice %arg6[%dma_wait3A_112, %dma_wait3A_124, %dma_wait3A_125] : memref<4x16x1024xf32, #tpu.memory_space<vmem>> -> memref<1x16x1024xf32, #tpu.memory_space<vmem>>
    %dma_wait3A_127 = tpu.memref_squeeze %dma_wait3A_126 : memref<1x16x1024xf32, #tpu.memory_space<vmem>> -> memref<16x1024xf32, #tpu.memory_space<vmem>>
    tpu.wait_dma2 semaphore(%dma_wait3A_121 : memref<!tpu.dma_semaphore, #tpu.memory_space<semaphore_mem>>) src(%dma_wait3A_127 : memref<16x1024xf32, #tpu.memory_space<vmem>>) dst(%dma_wait3A_123 : memref<16x1024xf32, #tpu.memory_space<hbm>>)
    %add3A_128 = arith.constant 4096 : i32
    %add3A_129 = arith.addi %add3A_128, %mul3A_2 : i32
    %add3A_130 = arith.constant 112 : i32
    %add3A_131 = arith.addi %add3A_129, %add3A_130 : i32
    %multiple_of3A_132 = tpu.assume_multiple %add3A_131, 16 : i32
    %dma_wait3A_133 = arith.constant 1 : i32
    %dma_wait3A_134 = arith.constant 1 : i32
    %dma_wait3A_135 = arith.constant 0 : i32
    %dma_wait3A_136 = arith.constant 0 : i32
    %dma_wait3A_137 = tpu.memref_slice %arg6[%dma_wait3A_133, %dma_wait3A_135, %dma_wait3A_136] : memref<4x16x1024xf32, #tpu.memory_space<vmem>> -> memref<1x16x1024xf32, #tpu.memory_space<vmem>>
    %dma_wait3A_138 = tpu.memref_squeeze %dma_wait3A_137 : memref<1x16x1024xf32, #tpu.memory_space<vmem>> -> memref<16x1024xf32, #tpu.memory_space<vmem>>
    %dma_wait3A_139 = arith.constant 0 : i32
    %dma_wait3A_140 = tpu.memref_slice %arg4[%multiple_of3A_132, %dma_wait3A_139] : memref<16384x1024xf32, #tpu.memory_space<hbm>> -> memref<16x1024xf32, #tpu.memory_space<hbm>>
    %dma_wait3A_141 = tpu.memref_slice %arg11[%dma_wait3A_134] : memref<4x!tpu.dma_semaphore, #tpu.memory_space<semaphore_mem>> -> memref<1x!tpu.dma_semaphore, #tpu.memory_space<semaphore_mem>>
    %dma_wait3A_142 = tpu.memref_squeeze %dma_wait3A_141 : memref<1x!tpu.dma_semaphore, #tpu.memory_space<semaphore_mem>> -> memref<!tpu.dma_semaphore, #tpu.memory_space<semaphore_mem>>
    %dma_wait3A_143 = arith.constant 0 : i32
    %dma_wait3A_144 = tpu.memref_slice %arg4[%multiple_of3A_132, %dma_wait3A_143] : memref<16384x1024xf32, #tpu.memory_space<hbm>> -> memref<16x1024xf32, #tpu.memory_space<hbm>>
    %dma_wait3A_145 = arith.constant 0 : i32
    %dma_wait3A_146 = arith.constant 0 : i32
    %dma_wait3A_147 = tpu.memref_slice %arg6[%dma_wait3A_133, %dma_wait3A_145, %dma_wait3A_146] : memref<4x16x1024xf32, #tpu.memory_space<vmem>> -> memref<1x16x1024xf32, #tpu.memory_space<vmem>>
    %dma_wait3A_148 = tpu.memref_squeeze %dma_wait3A_147 : memref<1x16x1024xf32, #tpu.memory_space<vmem>> -> memref<16x1024xf32, #tpu.memory_space<vmem>>
    tpu.wait_dma2 semaphore(%dma_wait3A_142 : memref<!tpu.dma_semaphore, #tpu.memory_space<semaphore_mem>>) src(%dma_wait3A_148 : memref<16x1024xf32, #tpu.memory_space<vmem>>) dst(%dma_wait3A_144 : memref<16x1024xf32, #tpu.memory_space<hbm>>)
    %add3A_149 = arith.constant 8192 : i32
    %add3A_150 = arith.addi %add3A_149, %mul3A_2 : i32
    %add3A_151 = arith.constant 112 : i32
    %add3A_152 = arith.addi %add3A_150, %add3A_151 : i32
    %multiple_of3A_153 = tpu.assume_multiple %add3A_152, 16 : i32
    %dma_wait3A_154 = arith.constant 2 : i32
    %dma_wait3A_155 = arith.constant 2 : i32
    %dma_wait3A_156 = arith.constant 0 : i32
    %dma_wait3A_157 = arith.constant 0 : i32
    %dma_wait3A_158 = tpu.memref_slice %arg6[%dma_wait3A_154, %dma_wait3A_156, %dma_wait3A_157] : memref<4x16x1024xf32, #tpu.memory_space<vmem>> -> memref<1x16x1024xf32, #tpu.memory_space<vmem>>
    %dma_wait3A_159 = tpu.memref_squeeze %dma_wait3A_158 : memref<1x16x1024xf32, #tpu.memory_space<vmem>> -> memref<16x1024xf32, #tpu.memory_space<vmem>>
    %dma_wait3A_160 = arith.constant 0 : i32
    %dma_wait3A_161 = tpu.memref_slice %arg4[%multiple_of3A_153, %dma_wait3A_160] : memref<16384x1024xf32, #tpu.memory_space<hbm>> -> memref<16x1024xf32, #tpu.memory_space<hbm>>
    %dma_wait3A_162 = tpu.memref_slice %arg11[%dma_wait3A_155] : memref<4x!tpu.dma_semaphore, #tpu.memory_space<semaphore_mem>> -> memref<1x!tpu.dma_semaphore, #tpu.memory_space<semaphore_mem>>
    %dma_wait3A_163 = tpu.memref_squeeze %dma_wait3A_162 : memref<1x!tpu.dma_semaphore, #tpu.memory_space<semaphore_mem>> -> memref<!tpu.dma_semaphore, #tpu.memory_space<semaphore_mem>>
    %dma_wait3A_164 = arith.constant 0 : i32
    %dma_wait3A_165 = tpu.memref_slice %arg4[%multiple_of3A_153, %dma_wait3A_164] : memref<16384x1024xf32, #tpu.memory_space<hbm>> -> memref<16x1024xf32, #tpu.memory_space<hbm>>
    %dma_wait3A_166 = arith.constant 0 : i32
    %dma_wait3A_167 = arith.constant 0 : i32
    %dma_wait3A_168 = tpu.memref_slice %arg6[%dma_wait3A_154, %dma_wait3A_166, %dma_wait3A_167] : memref<4x16x1024xf32, #tpu.memory_space<vmem>> -> memref<1x16x1024xf32, #tpu.memory_space<vmem>>
    %dma_wait3A_169 = tpu.memref_squeeze %dma_wait3A_168 : memref<1x16x1024xf32, #tpu.memory_space<vmem>> -> memref<16x1024xf32, #tpu.memory_space<vmem>>
    tpu.wait_dma2 semaphore(%dma_wait3A_163 : memref<!tpu.dma_semaphore, #tpu.memory_space<semaphore_mem>>) src(%dma_wait3A_169 : memref<16x1024xf32, #tpu.memory_space<vmem>>) dst(%dma_wait3A_165 : memref<16x1024xf32, #tpu.memory_space<hbm>>)
    %add3A_170 = arith.constant 12288 : i32
    %add3A_171 = arith.addi %add3A_170, %mul3A_2 : i32
    %add3A_172 = arith.constant 112 : i32
    %add3A_173 = arith.addi %add3A_171, %add3A_172 : i32
    %multiple_of3A_174 = tpu.assume_multiple %add3A_173, 16 : i32
    %dma_wait3A_175 = arith.constant 3 : i32
    %dma_wait3A_176 = arith.constant 3 : i32
    %dma_wait3A_177 = arith.constant 0 : i32
    %dma_wait3A_178 = arith.constant 0 : i32
    %dma_wait3A_179 = tpu.memref_slice %arg6[%dma_wait3A_175, %dma_wait3A_177, %dma_wait3A_178] : memref<4x16x1024xf32, #tpu.memory_space<vmem>> -> memref<1x16x1024xf32, #tpu.memory_space<vmem>>
    %dma_wait3A_180 = tpu.memref_squeeze %dma_wait3A_179 : memref<1x16x1024xf32, #tpu.memory_space<vmem>> -> memref<16x1024xf32, #tpu.memory_space<vmem>>
    %dma_wait3A_181 = arith.constant 0 : i32
    %dma_wait3A_182 = tpu.memref_slice %arg4[%multiple_of3A_174, %dma_wait3A_181] : memref<16384x1024xf32, #tpu.memory_space<hbm>> -> memref<16x1024xf32, #tpu.memory_space<hbm>>
    %dma_wait3A_183 = tpu.memref_slice %arg11[%dma_wait3A_176] : memref<4x!tpu.dma_semaphore, #tpu.memory_space<semaphore_mem>> -> memref<1x!tpu.dma_semaphore, #tpu.memory_space<semaphore_mem>>
    %dma_wait3A_184 = tpu.memref_squeeze %dma_wait3A_183 : memref<1x!tpu.dma_semaphore, #tpu.memory_space<semaphore_mem>> -> memref<!tpu.dma_semaphore, #tpu.memory_space<semaphore_mem>>
    %dma_wait3A_185 = arith.constant 0 : i32
    %dma_wait3A_186 = tpu.memref_slice %arg4[%multiple_of3A_174, %dma_wait3A_185] : memref<16384x1024xf32, #tpu.memory_space<hbm>> -> memref<16x1024xf32, #tpu.memory_space<hbm>>
    %dma_wait3A_187 = arith.constant 0 : i32
    %dma_wait3A_188 = arith.constant 0 : i32
    %dma_wait3A_189 = tpu.memref_slice %arg6[%dma_wait3A_175, %dma_wait3A_187, %dma_wait3A_188] : memref<4x16x1024xf32, #tpu.memory_space<vmem>> -> memref<1x16x1024xf32, #tpu.memory_space<vmem>>
    %dma_wait3A_190 = tpu.memref_squeeze %dma_wait3A_189 : memref<1x16x1024xf32, #tpu.memory_space<vmem>> -> memref<16x1024xf32, #tpu.memory_space<vmem>>
    tpu.wait_dma2 semaphore(%dma_wait3A_184 : memref<!tpu.dma_semaphore, #tpu.memory_space<semaphore_mem>>) src(%dma_wait3A_190 : memref<16x1024xf32, #tpu.memory_space<vmem>>) dst(%dma_wait3A_186 : memref<16x1024xf32, #tpu.memory_space<hbm>>)
    return
  }
}

</mosaic_0001>

<sc_bundles>
// kernel: kernel.3.cloned.1.call-start
scs
__scs_entry_jumppad:
0x0: {  	(pc) =	sbr.rel $0x88, $3  }
0x1: {  	(tag) =	ssettag $0x0;
	lr =	simm.s32 $0x1  }
0x2: {  	[smem:$0x3F9F] =	sst lr;
	_ =	strace $0xD0000000  }
0x3: {  	_ = 	snop  }
0x4: {  	_ = 	snop  }
0x5: {  	_ = 	snop  }
0x6: {  	_ = 	snop  }
0x7: {  	_ = 	snop  }
__scs_overlays_trampoline_lowered:
0x8: {  	[smem:$0x3FAE] =	sst s0  }
0x9: {  	[smem:$0x3FAF] =	sst s1  }
0xa: {  	[smem:$0x3FB0] =	sst s2  }
0xb: {  	[smem:$0x3FB1] =	sst s3  }
0xc: {  	[smem:$0x3FB2] =	sst s4  }
0xd: {  	[smem:$0x3FB3] =	sst s5  }
0xe: {  	[smem:$0x3FB4] =	sst s6  }
0xf: {  	[smem:$0x3FB5] =	sst s7  }
0x10: {  	[smem:$0x3FB6] =	sst s8  }
0x11: {  	[smem:$0x3FB7] =	sst s9;
	s0 =	simm.s32 @!p0 $0x0  }
0x12: {  	s1 =	sld [smem:$0x3F9D];
	s0 =	simm.s32 @p0 $0x1  }
0x13: {  	[smem:$0x3FB8] =	sst s0;
	s0 =	simm.s32 @!p1 $0x0  }
0x14: {  	s2 =	sld [smem:$0x3F9C];
	s0 =	simm.s32 @p1 $0x1  }
0x15: {  	[smem:$0x3FB9] =	sst s0;
	s0 =	simm.s32 @!p2 $0x0  }
0x16: {  	s3 =	sld [smem:$0x3FDB];
	s0 =	simm.s32 @p2 $0x1  }
0x17: {  	s4 =	simm.s32 $0x1BF5;
	[smem:$0x3FBB] =	sst s0  }
0x18: {  	s0 =	sld [smem:$0x3F9E];
	_ =	swait.ge [sflag:s4], $0x0  }
0x19: {  	s7 =	sld [smem:$0x3F9F]  }
0x1a: {  	s8 =	sadd.s32 $0xFFFFE003, lr  }
0x1b: {  	s9 =	sadd.s32 $0xFFFFFEF7, lr;
	s5 =	simm.s32 $0xFFFFFFFF;
	p2 =	slt.u32 s8, $0xFFFFF086  }
0x1c: {  	p1 =	slt.u32 s9, $0xF7A;
	s5 =	simm.s32 @!p2 $0x0  }
0x1d: {  	s5 =	simm.s32 @p1 $0x1;
	p0 =	seq.s32 s7, s2  }
0x1e: {  	s7 =	smul.u32 @!p0 $0xF7A, s2;
	p2 =	seq.s32 @!p0 s5, $0x0  }
0x1f: {  	s9 =	smul.u32 $0xF7A, s1;
	s8 =	simm.s32 @!p0 $0x1BF5;
	p2 =	por !p2, p0  }
0x20: {  	[sflag:s8] =	ssyncset.s32 @!p0 $0xFFFFF086;
	s6 =	sadd.s32 @!p0 s3, s7;
	s7 =	simm.s32 @!p0 $0x108  }
0x21: {  	s3 =	sadd.s32 s3, s9;
	s6 =	sadd.s32 @!p0 $0x88, s6;
	s7 =	simm.s32 @p2 $0x1082  }
0x22: {  	[simem:s7], [sflag:s8] =	dma.local @!p0 [hbm:s6], $0xF7A  }
0x23: {  	s9 =	sor.u32 $0xD0000000, s2;
	s6 =	simm.s32 $0x108;
	_ =	swait.ge @!p0 [sflag:s8], $0x0  }
0x24: {  	s3 =	sadd.s32 $0x88, s3;
	s6 =	simm.s32 @!p1 $0x1082;
	[sflag:s4] =	ssyncset.s32 $0xFFFFF086  }
0x25: {  	[simem:s6], [sflag:s4] =	dma.local [hbm:s3], $0xF7A  }
0x26: {  	[smem:$0x3F9F] =	sst s1;
	(tag) =	ssettag s2;
	_ =	strace s9  }
0x27: {  	s1 =	sld [smem:$0x3FAF]  }
0x28: {  	s2 =	sld [smem:$0x3FB0]  }
0x29: {  	s4 =	sld [smem:$0x3FB2]  }
0x2a: {  	p0 =	seq.s32 s5, $0x0;
	s5 =	sld [smem:$0x3FB3]  }
0x2b: {  	s6 =	sld [smem:$0x3FB4]  }
0x2c: {  	s7 =	sld [smem:$0x3FB5]  }
0x2d: {  	s3 =	simm.s32 $0x108;
	s8 =	sld [smem:$0x3FB6]  }
0x2e: {  	s3 =	simm.s32 @!p0 $0x1082;
	s9 =	sld [smem:$0x3FB7]  }
0x2f: {  	lr =	sadd.s32 s0, s3;
	s0 =	sld [smem:$0x3FAE]  }
0x30: {  	s3 =	sld [smem:$0x3FB1]  }
0x31: {  	[smem:$0x3FBA] =	sst s10  }
0x32: {  	s10 =	sld [smem:$0x3FB8];
	_ =	sdelay $0x3  }
0x33: {  	p0 =	seq.s32 s10, $0x1;
	s10 =	sld [smem:$0x3FBA];
	_ =	sdelay $0x3  }
0x34: {  	[smem:$0x3FBA] =	sst s10  }
0x35: {  	s10 =	sld [smem:$0x3FB9];
	_ =	sdelay $0x3  }
0x36: {  	p1 =	seq.s32 s10, $0x1;
	s10 =	sld [smem:$0x3FBA];
	_ =	sdelay $0x3  }
0x37: {  	[smem:$0x3FBA] =	sst s10  }
0x38: {  	s10 =	sld [smem:$0x3FBB]  }
0x39: {  	_ = 	snop;
	(pc) =	sbr.ind lr, $3  }
0x3a: {  	_ = 	snop  }
0x3b: {  	_ = 	snop  }
0x3c: {  	p2 =	seq.s32 s10, $0x1;
	s10 =	sld [smem:$0x3FBA]  }
0x3d: {  	_ =	shalt  }
0x3e: {  	_ =	shalt  }
0x3f: {  	_ =	shalt  }
0x40: {  	_ =	shalt  }
0x41: {  	_ =	shalt  }
0x42: {  	_ =	shalt  }
0x43: {  	_ =	shalt  }
0x44: {  	_ =	shalt  }
0x45: {  	_ =	shalt  }
0x46: {  	_ =	shalt  }
0x47: {  	_ =	shalt  }
0x48: {  	_ =	shalt  }
0x49: {  	_ =	shalt  }
0x4a: {  	_ =	shalt  }
0x4b: {  	_ =	shalt  }
0x4c: {  	_ =	shalt  }
0x4d: {  	_ =	shalt  }
0x4e: {  	_ =	shalt  }
0x4f: {  	_ =	shalt  }
0x50: {  	_ =	shalt  }
0x51: {  	_ =	shalt  }
0x52: {  	_ =	shalt  }
0x53: {  	_ =	shalt  }
0x54: {  	_ =	shalt  }
0x55: {  	_ =	shalt  }
0x56: {  	_ =	shalt  }
0x57: {  	_ =	shalt  }
0x58: {  	_ =	shalt  }
0x59: {  	_ =	shalt  }
0x5a: {  	_ =	shalt  }
0x5b: {  	_ =	shalt  }
0x5c: {  	_ =	shalt  }
0x5d: {  	_ =	shalt  }
0x5e: {  	_ =	shalt  }
0x5f: {  	_ =	shalt  }
0x60: {  	_ =	shalt  }
0x61: {  	_ =	shalt  }
0x62: {  	_ =	shalt  }
0x63: {  	_ =	shalt  }
0x64: {  	_ =	shalt  }
0x65: {  	_ =	shalt  }
0x66: {  	_ =	shalt  }
0x67: {  	_ =	shalt  }
0x68: {  	_ =	shalt  }
0x69: {  	_ =	shalt  }
0x6a: {  	_ =	shalt  }
0x6b: {  	_ =	shalt  }
0x6c: {  	_ =	shalt  }
0x6d: {  	_ =	shalt  }
0x6e: {  	_ =	shalt  }
0x6f: {  	_ =	shalt  }
0x70: {  	_ =	shalt  }
0x71: {  	_ =	shalt  }
0x72: {  	_ =	shalt  }
0x73: {  	_ =	shalt  }
0x74: {  	_ =	shalt  }
0x75: {  	_ =	shalt  }
0x76: {  	_ =	shalt  }
0x77: {  	_ =	shalt  }
0x78: {  	_ =	shalt  }
0x79: {  	_ =	shalt  }
0x7a: {  	_ =	shalt  }
0x7b: {  	_ =	shalt  }
0x7c: {  	_ =	shalt  }
0x7d: {  	_ =	shalt  }
0x7e: {  	_ =	shalt  }
0x7f: {  	_ =	shalt  }
0x80: {  	_ =	shalt  }
0x81: {  	_ =	shalt  }
0x82: {  	_ =	shalt  }
0x83: {  	_ =	shalt  }
0x84: {  	_ =	shalt  }
0x85: {  	_ =	shalt  }
0x86: {  	_ =	shalt  }
0x87: {  	_ =	shalt  }
.Lfunc_end0:
.L_simem_size_0:
called_computation_lowered:
.L_overlay_start_0:
0x88: {  	s2 =	sld [smem:$0x3FD9]  }
0x89: {  	s3 =	sld [smem:$0x3FFE];
	_ =	sdelay $0x1  }
0x8a: {  	s1 =	srdreg.scid  }
0x8b: {  	s0 =	sand.u32 $0x1, s1  }
0x8c: {  	s18 =	sshll.u32 s0, $0xA;
	s2 =	sadd.s32 s3, s2  }
0x8d: {  	s2 =	sadd.s32 s2, s18  }
0x8e: {  	[smem:$0x3FC6] =	sst s2  }
0x8f: {  	_ = 	snop  }
0x90: {  	s2 =	sld [smem:$0x3FC9]  }
0x91: {  	s19 =	sld [smem:$0x3FC8]  }
0x92: {  	s4 =	sld [smem:$0x3FD0];
	(tm) =	ssettm $0x1  }
0x93: {  	s5 =	sld [smem:$0x3FFB];
	_ =	sdelay $0x3  }
0x94: {  	_ =	strace s5  }
0x95: {  	s5 =	sld [smem:$0x3FFC];
	_ =	sdelay $0x3  }
0x96: {  	_ =	strace s5  }
0x97: {  	s5 =	sld [smem:$0x3FFD];
	_ =	sdelay $0x3  }
0x98: {  	_ =	strace s5  }
0x99: {  	_ =	strace $0x8FFFFFFF  }
0x9a: {  	s20 =	sld [smem:$0x3FDB];
	_ =	sdelay $0x1  }
0x9b: {  	s6 =	simm.s32 $_scs_section_size  }
0x9c: {  	s7 =	simm.s32 $_size__tile_overlayer_lowered;
	s8 =	simm.s32 $_tile_overlayer_lowered  }
0x9d: {  	s23 =	simm.s32 $0x1BFF;
	s22 =	sshll.u32 s8, $0x1;
	s5 =	sadd.s32 s6, s20  }
0x9e: {  	s9 =	simm.s32 $0x0;
	s21 =	sshll.u32 s7, $0x1;
	s7 =	sadd.s32 s22, s5  }
0x9f: {  	[timem:s9], [sflag:s23] =	dma.local [hbm:s7], s21  }
0xa0: {  	_ =	swait.ge [sflag:s23], s21  }
0xa1: {  	s6 =	ssub.s32 $0x0, s21;
	[sflag:s23] =	ssyncset.done $0x0  }
0xa2: {  	[sflag:s23] =	ssyncadd.s32 s6;
	_ =	sdelay $0x1  }
0xa3: {  	s24 =	simm.s32 $0x1B8B  }
0xa4: {  	_ =	swait.ge [sflag:s24], $0x1  }
0xa5: {  	[sflag:s24] =	ssyncset.done $0x0  }
0xa6: {  	s25 =	simm.s32 $0x1B8E;
	[sflag:s24] =	ssyncadd.s32 $0xFFFFFFFF  }
0xa7: {  	s26 =	simm.s32 $execute0_lowered;
	[smem:$0x3FD2] =	sst s25  }
0xa8: {  	s6 =	sshll.u32 s26, $0x1;
	_ =	strace $0x80000046;
	[dreg:$0x1] =	wrdreg $0xFFFFFFFF  }
0xa9: {  	s28 =	simm.s32 $_size_execute0_lowered;
	s5 =	sadd.s32 s5, s6;
	[dreg:$0x0] =	wrdreg $0x0  }
0xaa: {  	s6 =	sshll.u32 s28, $0x1;
	[dreg:$0x2] =	wrdreg s5  }
0xab: {  	[dreg:$0x3] =	wrdreg s6  }
0xac: {  	[dreg:$0x4] =	wrdreg $0xC0  }
0xad: {  	_ =	task [dreg:s9], $0x5FFFF  }
0xae: {  	[dreg:$0x1] =	wrdreg $0xFFFFFFFF  }
0xaf: {  	[dreg:$0x0] =	wrdreg $0x60  }
0xb0: {  	[dreg:$0x2] =	wrdreg s2  }
0xb1: {  	[dreg:$0x3] =	wrdreg s19  }
0xb2: {  	[dreg:$0x4] =	wrdreg s4  }
0xb3: {  	[dreg:$0x5] =	wrdreg $0x180000  }
0xb4: {  	[dreg:$0x6] =	wrdreg $0x9  }
0xb5: {  	_ =	task.clear_ibuf [dreg:s9], $0x7FFFF;
	_ =	strace $0x90000046  }
0xb6: {  	s29 =	simm.s32 $0x9;
	_ =	strace $0x80000048  }
0xb7: {  	_ =	swait.ge [sflag:s29], $0x1  }
0xb8: {  	[sflag:s29] =	ssyncadd.s32 $0xFFFFFFFF  }
0xb9: {  	_ =	strace $0x90000048  }
0xba: {  	_ =	sfence  }
0xbb: {  	s30 =	sld [smem:$0x0];
	_ =	sdelay $0x2  }
0xbc: {  	s31 =	sshll.u32 s1, $0xD;
	s1 =	sshrl.u32 s1, $0x2  }
0xbd: {  	s3 =	sand.u32 $0x4000, s31;
	s1 =	sadd.s32 s1, s30  }
0xbe: {  	s0 =	sor.u32 s3, s0;
	s1 =	sshll.u32 s1, $0x11  }
0xbf: {  	s0 =	sor.u32 s1, s0  }
0xc0: {  	s0 =	sadd.s32 $0x8F2B, s0  }
0xc1: {  	[sflag:s0] =	ssyncadd.remote.s32 $0x1  }
0xc2: {  	_ =	sfence.sel $0xFFFF  }
0xc3: {  	[dreg:$0x0] =	wrdreg $0xFFFFFFFF;
	(pc) =	sbr.abs _section_cstart, $3  }
0xc4: {  	[dreg:$0x1] =	wrdreg $0xFFFFFFFF  }
0xc5: {  	_ =	task.clear_ibuf [dreg:s9], $0x2FFFF;
	_ =	strace $0x9FFFFFFF  }
0xc6: {  	(tm) =	ssettm $0x7FFFFFFF  }
0xc7: {  	_ =	shalt  }
tec
execute0_lowered:
.L_overlay_start_1:
0x0: {  	(tag) =	ssettag $0x1  }
0x1: {  	s0 =	rddreg [dreg:$0x0]  }
0x2: {  	s2 =	rddreg [dreg:$0x1]  }
0x3: {  	s10 =	rddreg [dreg:$0x2]  }
0x4: {  	s4 =	rddreg [dreg:$0x3];
	s1 =	simm.s32 $0x0  }
0x5: {  	s3 =	srdreg.scid;
	s8 =	stileid.u32;
	s16 =	simm.s32 $0x1  }
0x6: {  	s19 =	simm.s32 $0x9;
	s20 =	simm.s32 $0xA;
	s21 =	simm.s32 $0xB  }
0x7: {  	s22 =	simm.s32 $0xC;
	s23 =	simm.s32 $0x0;
	[smem:$0x7FF] =	sst s1  }
0x8: {  	s3 =	sand.u32 $0x1, s3;
	s7 =	sshll.u32 s8, $0xF;
	_ =	strace $0x80000047  }
0x9: {  	s5 =	ssub.s32 $0x2, s3;
	s3 =	sshll.u32 s3, $0xE;
	s4 =	sadd.s32 s7, s4  }
0xa: {  	s6 =	sshrl.u32 s5, $0x1;
	s12 =	sor.u32 s3, s7;
	s3 =	sshll.u32 s8, $0x6  }
0xb: {  	s30 =	sadd.s32 $0x4000, s4;
	s13 =	sshrl.u32 s4, $0x3;
	s11 =	ssub.s32 s5, s6  }
0xc: {  	s5 =	sadd.s32 s2, s12;
	s29 =	sor.u32 $0x1C01, s3;
	s8 =	sadd.s32 s0, s12  }
0xd: {  	s10 =	sadd.s32 s10, s12;
	s14 =	sor.u32 $0x1C02, s3;
	s15 =	sshrl.u32 s30, $0x3  }
0xe: {  	[dreg:$0x5] =	wrdreg s29;
	s31 =	sadd.s32 $0x800, s5;
	s9 =	sadd.s32 $0x80000, s8  }
0xf: {  	s11 =	smax.u32 s11, $0x1;
	s12 =	sadd.s32 $0x1000, s5;
	[dreg:$0x6] =	wrdreg s31  }
.LBB2_1:
0x10: {  	s0 =	rddreg [dreg:$0x5]  }
0x11: {  	[spmem:s13], [sflag:s0] =	dma.local [hbm:s5], $0x800  }
0x12: {  	s0 =	rddreg [dreg:$0x6]  }
0x13: {  	[spmem:s15], [sflag:s14] =	dma.local [hbm:s0], $0x800  }
0x14: {  	_ =	swait.ge [sflag:s16], $0x800  }
0x15: {  	[sflag:s16] =	ssyncset.done $0x0  }
0x16: {  	[sflag:s16] =	ssyncadd.s32 $0xFFFFF800  }
0x17: {  	[tilespmem:s1], [sflag:$0x3] =	stream.linear.gather [spmem:s4], $0x4000, $0x38;
	v63 =	vld [tilespmem:$0x0]  }
0x18: {  	s30 =	simm.s32 $0x8000  }
0x19: {  	[tilespmem:s30], [sflag:$0x5] =	stream.linear.gather [hbm4b:s8+s1], $0x4000, $0x38;
	v63 =	vld [tilespmem:$0x0]  }
0x1a: {  	s31 =	simm.s32 $0xC000;
	s24 =	simm.s32 $0x0  }
0x1b: {  	[tilespmem:s31], [sflag:$0x6] =	stream.linear.gather [hbm4b:s9+s1], $0x4000, $0x38;
	v63 =	vld [tilespmem:$0x0]  }
.LBB2_2:
0x1c: {  	s25 =	sand.u32 $0x3, s24  }
0x1d: {  	p0 =	sne.s32 s25, $0x0  }
.Ltmp0:
0x1e: {  	_ = 	snop;
	(pc) =	sbr.rel @!p0 .LBB2_3-.Ltmp0, $3  }
0x1f: {  	_ =	sdelay $0x1  }
0x20: {  	s26 =	sshrl.u32 s24, $0x2  }
0x21: {  	s0 =	sand.u32 $0x1, s26  }
.LBB2_7:
0x22: {  	p0 =	sgt.u32 s24, $0x1D  }
.Ltmp1:
0x23: {  	_ = 	snop;
	(pc) =	sbr.rel @p0 .LBB2_10-.Ltmp1, $1  }
0x24: {  	_ =	sdelay $0x3  }
.Ltmp2:
0x25: {  	(pc) =	sbr.rel .LBB2_9-.Ltmp2, $2  }
0x26: {  	_ =	sdelay $0x2  }
0x27: {  	s2 =	sadd.s32 $0x2, s24  }
.LBB2_3:
0x28: {  	p0 =	sgt.u32 s24, $0x17  }
.Ltmp3:
0x29: {  	_ = 	snop;
	(pc) =	sbr.rel @p0 .LBB2_5-.Ltmp3, $4  }
0x2a: {  	s2 =	sadd.s32 $0x3, s0  }
0x2b: {  	_ =	swait.ge [sflag:s2], $0x4000  }
0x2c: {  	[sflag:s2] =	ssyncset.done $0x0  }
0x2d: {  	[sflag:s2] =	ssyncadd.s32 $0xFFFFC000  }
.Ltmp4:
0x2e: {  	(pc) =	sbr.rel .LBB2_6-.Ltmp4, $4  }
0x2f: {  	s2 =	sshll.u32 s0, $0xE  }
0x30: {  	s28 =	sor.u32 s3, s0;
	s29 =	sshll.u32 s26, $0xB;
	s2 =	sadd.s32 s2, s4  }
0x31: {  	s29 =	sadd.s32 s12, s29;
	s28 =	sadd.s32 $0x1C01, s28;
	s2 =	sshrl.u32 s2, $0x3  }
0x32: {  	[spmem:s2], [sflag:s28] =	dma.local [hbm:s29], $0x800  }
.LBB2_5:
0x33: {  	p0 =	sgt.u32 s24, $0x1B  }
.Ltmp5:
0x34: {  	_ = 	snop;
	(pc) =	sbr.rel @p0 .LBB2_7-.Ltmp5, $1  }
0x35: {  	_ =	sdelay $0x3  }
.LBB2_6:
0x36: {  	s2 =	sxor.u32 $0x1, s0  }
0x37: {  	s28 =	sadd.s32 $0x1, s2  }
0x38: {  	_ =	swait.ge [sflag:s28], $0x800  }
0x39: {  	s29 =	sshll.u32 s2, $0xE;
	[sflag:s28] =	ssyncset.done $0x0  }
0x3a: {  	s2 =	sadd.s32 $0x3, s2;
	s30 =	sadd.s32 s29, s4;
	[sflag:s28] =	ssyncadd.s32 $0xFFFFF800  }
0x3b: {  	[tilespmem:s29], [sflag:s2] =	stream.linear.gather [spmem:s30], $0x4000, $0x38;
	v63 =	vld [tilespmem:$0x0]  }
0x3c: {  	s2 =	sor.u32 $0x2, s24  }
.LBB2_9:
0x3d: {  	p0 =	slt.u32 s24, $0x2  }
0x3e: {  	s28 =	sxor.u32 @!p0 $0x2, s25  }
0x3f: {  	s28 =	sadd.s32 @!p0 $0x9, s28  }
0x40: {  	s29 =	sand.u32 $0x3, s2;
	s30 =	sshll.u32 s2, $0x9;
	_ =	swait.ge @!p0 [sflag:s28], $0x4000  }
0x41: {  	s31 =	sshll.u32 s29, $0x13;
	s2 =	sand.u32 $0x7800, s30;
	[sflag:s28] =	ssyncset.done @!p0 $0x0  }
0x42: {  	s30 =	sshll.u32 s29, $0xE;
	[sflag:s28] =	ssyncadd.s32 @!p0 $0xFFFFC000;
	s28 =	sadd.s32 s31, s8  }
0x43: {  	s29 =	sadd.s32 $0x5, s29;
	s30 =	sadd.s32 $0x8000, s30;
	s2 =	sadd.s32 s2, s28  }
0x44: {  	[tilespmem:s30], [sflag:s29] =	stream.linear.gather [hbm4b:s2+s1], $0x4000, $0x38;
	v63 =	vld [tilespmem:$0x0]  }
.LBB2_10:
0x45: {  	s2 =	sadd.s32 $0x5, s25;
	s28 =	sshll.u32 s25, $0xE;
	s29 =	simm.s32 $0x0  }
0x46: {  	s30 =	sshll.u32 s0, $0xE;
	s31 =	simm.s32 $0x0;
	_ =	swait.ge [sflag:s2], $0x4000  }
0x47: {  	s28 =	sadd.s32 $0x8000, s28;
	s7 =	sand.u32 $0x2000, s29;
	s17 =	sand.u32 $0x1C00, s31  }
0x48: {  	s29 =	simm.s32 $0x0;
	[sflag:s2] =	ssyncset.done $0x0;
	s18 =	sadd.s32 s7, s28  }
0x49: {  	s6 =	sand.u32 $0x380, s29;
	s0 =	sadd.s32 s7, s30;
	s18 =	sadd.s32 s17, s18  }
0x4a: {  	[sflag:s2] =	ssyncadd.s32 $0xFFFFC000;
	s0 =	sadd.s32 s17, s0;
	s29 =	sadd.s32 s6, s18  }
0x4b: {  	s0 =	sadd.s32 s6, s0;
	v0 =	vld [tilespmem:s29+$0x70]  }
0x4c: {  	v2 =	vld [tilespmem:s0+$0x70]  }
0x4d: {  	v6 =	vld [tilespmem:s29+$0x0]  }
0x4e: {  	v7 =	vld [tilespmem:s0+$0x0]  }
0x4f: {  	v3 =	vld [tilespmem:s29+$0x10]  }
0x50: {  	v5 =	vld [tilespmem:s0+$0x10]  }
0x51: {  	v1 =	vld [tilespmem:s29+$0x20]  }
0x52: {  	v4 =	vld [tilespmem:s0+$0x20];
	v2 =	vadd.f32 v2, v0  }
0x53: {  	v0 =	vld [tilespmem:s29+$0x30];
	v6 =	vadd.f32 v7, v6  }
0x54: {  	s2 =	simm.s32 $0x0;
	[tilespmem:s29+$0x70] =	vst v2;
	v2 =	vld [tilespmem:s0+$0x30]  }
.LBB2_11:
0x55: {  	s2 =	sadd.s32 $0x8, s2;
	[tilespmem:s29+$0x0] =	vst v6;
	v3 =	vadd.f32 v5, v3;
	v5 =	vld [tilespmem:s29+$0x40]  }
0x56: {  	s6 =	sshll.u32 s2, $0x4;
	p0 =	slt.u32 s2, $0x3F8;
	v6 =	vld [tilespmem:s0+$0x40]  }
0x57: {  	s31 =	sadd.s32 $0x400, s31;
	s6 =	sand.u32 $0x2000, s6;
	[tilespmem:s29+$0x10] =	vst v3;
	v1 =	vadd.f32 v4, v1;
	v3 =	vld [tilespmem:s29+$0x50]  }
0x58: {  	s17 =	sand.u32 $0x1C00, s31;
	s18 =	sshll.u32 s2, $0x1;
	s7 =	sadd.s32 s6, s28;
	v4 =	vld [tilespmem:s0+$0x50]  }
0x59: {  	s18 =	sand.u32 $0x380, s18;
	s6 =	sadd.s32 s6, s30;
	s7 =	sadd.s32 s17, s7;
	[tilespmem:s29+$0x20] =	vst v1;
	v0 =	vadd.f32 v2, v0;
	v1 =	vld [tilespmem:s29+$0x60]  }
0x5a: {  	s6 =	sadd.s32 s17, s6;
	s7 =	sadd.s32 s18, s7;
	v2 =	vld [tilespmem:s0+$0x60]  }
0x5b: {  	s0 =	sadd.s32 s18, s6;
	v7 =	vld [tilespmem:s7+$0x70];
	[tilespmem:s29+$0x30] =	vst v0;
	v0 =	vadd.f32 v6, v5  }
0x5c: {  	v6 =	vld [tilespmem:s0+$0x70]  }
0x5d: {  	v8 =	vld [tilespmem:s7+$0x0];
	[tilespmem:s29+$0x40] =	vst v0;
	v0 =	vadd.f32 v4, v3  }
0x5e: {  	v9 =	vld [tilespmem:s0+$0x0]  }
0x5f: {  	v3 =	vld [tilespmem:s7+$0x10];
	[tilespmem:s29+$0x50] =	vst v0;
	v0 =	vadd.f32 v2, v1  }
.Ltmp6:
0x60: {  	v5 =	vld [tilespmem:s0+$0x10];
	(pc) =	sbr.rel @p0 .LBB2_11-.Ltmp6, $4  }
0x61: {  	v1 =	vld [tilespmem:s7+$0x20];
	v2 =	vadd.f32 v6, v7;
	[tilespmem:s29+$0x60] =	vst v0;
	s29 =	smov.u32 s7  }
0x62: {  	v4 =	vld [tilespmem:s0+$0x20]  }
0x63: {  	v6 =	vadd.f32 v9, v8;
	v0 =	vld [tilespmem:s29+$0x30];
	[tilespmem:s29+$0x70] =	vst v2  }
0x64: {  	v2 =	vld [tilespmem:s0+$0x30]  }
0x65: {  	v7 =	vld [tilespmem:s29+$0x40]  }
0x66: {  	v8 =	vld [tilespmem:s0+$0x40]  }
0x67: {  	v9 =	vld [tilespmem:s29+$0x50]  }
0x68: {  	v10 =	vld [tilespmem:s0+$0x50]  }
0x69: {  	v11 =	vld [tilespmem:s29+$0x60]  }
0x6a: {  	v3 =	vadd.f32 v5, v3;
	v59 =	vld [tilespmem:s0+$0x60]  }
0x6b: {  	[tilespmem:s29+$0x0] =	vst v6;
	v1 =	vadd.f32 v4, v1  }
0x6c: {  	s24 =	sadd.s32 $0x1, s24;
	[tilespmem:s29+$0x10] =	vst v3;
	v0 =	vadd.f32 v2, v0  }
0x6d: {  	p0 =	sne.s32 s24, $0x20;
	[tilespmem:s29+$0x20] =	vst v1;
	v60 =	vadd.f32 v8, v7  }
.Ltmp7:
0x6e: {  	v61 =	vadd.f32 v10, v9;
	[tilespmem:s29+$0x30] =	vst v0;
	(pc) =	sbr.rel @p0 .LBB2_2-.Ltmp7, $4  }
0x6f: {  	s31 =	sshll.u32 s26, $0xB;
	v62 =	vadd.f32 v59, v11;
	[tilespmem:s29+$0x40] =	vst v60  }
0x70: {  	s2 =	sshll.u32 s25, $0x13;
	s0 =	sadd.s32 s31, s10;
	[tilespmem:s29+$0x50] =	vst v61  }
0x71: {  	s6 =	sadd.s32 $0x9, s25;
	s0 =	sadd.s32 s2, s0;
	[tilespmem:s29+$0x60] =	vst v62  }
0x72: {  	[hbm4b:s0+s1] =	stream.linear.scatter [tilespmem:s28], [sflag:s6], $0x4000, $0x38;
	v63 =	vld [tilespmem:$0x0]  }
0x73: {  	_ =	swait.ge [sflag:s19], $0x4000  }
0x74: {  	[sflag:s19] =	ssyncset.done $0x0  }
0x75: {  	[sflag:s19] =	ssyncadd.s32 $0xFFFFC000  }
0x76: {  	_ =	swait.ge [sflag:s20], $0x4000  }
0x77: {  	[sflag:s20] =	ssyncset.done $0x0  }
0x78: {  	s23 =	sadd.s32 $0x1, s23;
	[sflag:s20] =	ssyncadd.s32 $0xFFFFC000  }
0x79: {  	p0 =	sne.s32 s23, s11;
	_ =	swait.ge [sflag:s21], $0x4000  }
.Ltmp8:
0x7a: {  	[sflag:s21] =	ssyncset.done $0x0;
	(pc) =	sbr.rel @p0 .LBB2_1-.Ltmp8, $4  }
0x7b: {  	[sflag:s21] =	ssyncadd.s32 $0xFFFFC000  }
0x7c: {  	_ =	swait.ge [sflag:s22], $0x4000  }
0x7d: {  	[sflag:s22] =	ssyncset.done $0x0  }
0x7e: {  	[sflag:s22] =	ssyncadd.s32 $0xFFFFC000  }
0x7f: {  	_ =	sfence.sel $0x180000  }
0x80: {  	[bflag:$0x0] =	sbarrier.arrive $0xFFFF  }
0x81: {  	_ =	strace $0x90000047  }
0x82: {  	s0 =	stileid.u32;
	[bflag:$0x2] =	sbarrier.arrive $0xFFFF  }
0x83: {  	p0 =	sne.s32 s0, $0x0;
	s0 =	rddreg [dreg:$0x4]  }
0x84: {  	s0 =	sadd.s32 @!p0 $0x100000, s0  }
0x85: {  	[sflag:s0] =	ssyncadd.tile.s32 @!p0 $0x1;
	_ =	shalt  }
.Lfunc_end2:
_tile_overlayer_lowered:
.L_overlay_start_2:
0x86: {  	(tag) =	ssettag $0x2  }
0x87: {  	s0 =	rddreg [dreg:$0x0];
	s2 =	stileid.u32  }
0x88: {  	s1 =	rddreg [dreg:$0x1];
	p0 =	sne.s32 s2, $0x0  }
0x89: {  	s3 =	rddreg [dreg:$0x2];
	[bflag:$0x3] =	sbarrier.arrive $0xFFFF;
	s2 =	simm.s32 @!p0 $0x1C0D  }
0x8a: {  	[timem:s3], [sflag:s2] =	dma.local @!p0 [hbm:s0], s1  }
0x8b: {  	s0 =	simm.s32 @!p0 $0xD  }
0x8c: {  	_ =	swait.ge @!p0 [sflag:s0], s1  }
0x8d: {  	s1 =	ssub.s32 @!p0 $0x0, s1;
	[sflag:s0] =	ssyncset.done @!p0 $0x0  }
0x8e: {  	[sflag:s0] =	ssyncadd.s32 @!p0 s1  }
0x8f: {  	[bflag:$0x3] =	sbarrier.arrive $0xFFFF  }
0x90: {  	_ =	shalt  }

</sc_bundles>
